<compile_context>
chip_gen: v7x
topology: tpu7x:2x2x1
jax: 0.10.2.dev20260603
libtpu: 0.0.44.dev20260713+nightly
codegen_flags: <defaults>
</compile_context>

<pallas_src>
import functools

import jax
import jax.numpy as jnp
from jax import lax
from jax.experimental import pallas as pl
from jax.experimental.pallas import tpu as pltpu
from jax.experimental.pallas import tpu_sc as plsc

NC = 2
NS = 16
LANES = 16
NW = NC * NS
NBUF = 4


@functools.partial(jax.jit, static_argnums=(3, 4, 5))
def _build_and_run(z_0, z_1, eidx, E, D, chunk):
    n_per_w = E // NW
    n_chunks = n_per_w // chunk
    n_quads = n_chunks // NBUF
    n_tail = n_chunks - NBUF * n_quads
    groups = chunk // LANES
    mesh = plsc.VectorSubcoreMesh(core_axis_name="c", subcore_axis_name="s")

    row_bufs = []
    for _ in range(NBUF):
        row_bufs += [pltpu.VMEM((chunk, D), jnp.float32),
                     pltpu.VMEM((chunk, D), jnp.float32)]

    @functools.partial(
        pl.kernel,
        out_type=jax.ShapeDtypeStruct((E,), jnp.float32),
        mesh=mesh,
        scratch_types=[
            pltpu.VMEM((n_per_w,), jnp.int32),
            pltpu.VMEM((n_per_w,), jnp.int32),
            *row_bufs,
            pltpu.VMEM((n_per_w,), jnp.float32),
            *([pltpu.SemaphoreType.DMA] * NBUF),
        ],
        compiler_params=pltpu.CompilerParams(needs_layout_passes=False),
    )
    def k(z0_hbm, z1_hbm, idx0_hbm, idx1_hbm, out_hbm,
          idx0_v, idx1_v, *rest):
        bufs = [(rest[2 * b], rest[2 * b + 1]) for b in range(NBUF)]
        out_v = rest[2 * NBUF]
        sems = rest[2 * NBUF + 1:]

        wid = lax.axis_index("s") * NC + lax.axis_index("c")
        base = wid * n_per_w
        pltpu.sync_copy(idx0_hbm.at[pl.ds(base, n_per_w)], idx0_v)
        pltpu.sync_copy(idx1_hbm.at[pl.ds(base, n_per_w)], idx1_v)

        lane_iota = jnp.arange(LANES, dtype=jnp.int32)
        zero16 = jnp.zeros((LANES,), jnp.float32)

        def gathers(kk, b):
            off = kk * chunk
            src_buf, dst_buf = bufs[b]
            return (
                pltpu.make_async_copy(
                    z0_hbm.at[idx0_v.at[pl.ds(off, chunk)]], src_buf, sems[b]),
                pltpu.make_async_copy(
                    z1_hbm.at[idx1_v.at[pl.ds(off, chunk)]], dst_buf, sems[b]),
            )

        def issue(kk, b):
            for cp in gathers(kk, b):
                cp.start()

        def drain(kk, b):
            for cp in gathers(kk, b):
                cp.wait()

        def compute(kk, b):
            off = kk * chunk
            src_buf, dst_buf = bufs[b]

            def gbody(g, carry):
                lanes = g * LANES + lane_iota

                def dbody(i, accs):
                    a0, a1, a2, a3 = accs
                    d0 = i * 4
                    c0 = (lane_iota + d0) & (D - 1)
                    c1 = (lane_iota + (d0 + 1)) & (D - 1)
                    c2 = (lane_iota + (d0 + 2)) & (D - 1)
                    c3 = (lane_iota + (d0 + 3)) & (D - 1)
                    a0 = a0 + (plsc.load_gather(src_buf, [lanes, c0])
                               * plsc.load_gather(dst_buf, [lanes, c0]))
                    a1 = a1 + (plsc.load_gather(src_buf, [lanes, c1])
                               * plsc.load_gather(dst_buf, [lanes, c1]))
                    a2 = a2 + (plsc.load_gather(src_buf, [lanes, c2])
                               * plsc.load_gather(dst_buf, [lanes, c2]))
                    a3 = a3 + (plsc.load_gather(src_buf, [lanes, c3])
                               * plsc.load_gather(dst_buf, [lanes, c3]))
                    return a0, a1, a2, a3

                a0, a1, a2, a3 = lax.fori_loop(
                    0, D // 4, dbody, (zero16, zero16, zero16, zero16))
                x = (a0 + a1) + (a2 + a3)
                y = 1.0 / (1.0 + jnp.exp(-x))
                out_v[pl.ds(off + g * LANES, LANES)] = y
                return carry

            lax.fori_loop(0, groups, gbody, 0)

        for b in range(NBUF - 1):
            issue(b, b)

        def quad_body(m, carry):
            for b in range(NBUF):
                kk = NBUF * m + b
                drain(kk, b)

                @pl.when(kk + NBUF - 1 < n_chunks)
                def _():
                    issue(kk + NBUF - 1, (b + NBUF - 1) % NBUF)

                compute(kk, b)
            return carry

        lax.fori_loop(0, n_quads, quad_body, 0)

        for t in range(n_tail):
            kk = NBUF * n_quads + t
            drain(kk, kk % NBUF)
            compute(kk, kk % NBUF)

        pltpu.sync_copy(out_v, out_hbm.at[pl.ds(base, n_per_w)])

    return k(z_0, z_1, eidx[0], eidx[1])


def kernel(z_0, z_1, edge_index):
    E = edge_index.shape[1]
    D = z_0.shape[1]
    eidx = edge_index.astype(jnp.int32)
    return _build_and_run(z_0, z_1, eidx, E, D, 80)

# --- scband reference (transcript-rebuilt; emitter-appended) ---
"""Pipeline reference for scband-hetero-decoder-30562987278564 (READ-ONLY COPY).

The authoritative reference and input builder live on the scoring server;
editing this copy changes nothing except your own understanding.
"""

import jax, jax.numpy as jnp
import numpy as np


def setup_inputs(seed: int = 0) -> dict:
    key = jax.random.key(seed)
    k0, k1, k2 = jax.random.split(key, 3)
    z_0 = jax.random.normal(k0, (10000, 128), dtype=jnp.float32)
    z_1 = jax.random.normal(k1, (10000, 128), dtype=jnp.float32)
    edge_index = jax.random.randint(k2, (2, 320000), 0, 10000, dtype=jnp.int64)
    return {"z_0": z_0, "z_1": z_1, "edge_index": edge_index}


def reference(z_0, z_1, edge_index):
    # Gather source/destination node embeddings and compute edgewise dot product
    src = jnp.take(z_0, edge_index[0], axis=0)
    dst = jnp.take(z_1, edge_index[1], axis=0)
    value = (src * dst).sum(axis=1)
    return jax.nn.sigmoid(value)

if __name__ == "__main__":
    import jax
    _d = setup_inputs()
    print(jax.jit(kernel)(*tuple(_d.values())))

</pallas_src>

<mosaic_0001>
#map = affine_map<(d0, d1) -> (0, 0)>
#map1 = affine_map<(d0, d1) -> (0)>
module attributes {stable_mosaic.version = 14 : i64} {
  func.func @k(%arg0: i32, %arg1: i32, %arg2: memref<10000x128xf32, #tpu.memory_space<hbm>>, %arg3: memref<10000x128xf32, #tpu.memory_space<hbm>>, %arg4: memref<320000xi32, #tpu.memory_space<hbm>>, %arg5: memref<320000xi32, #tpu.memory_space<hbm>>, %arg6: memref<320000xf32, #tpu.memory_space<hbm>>, %arg7: memref<10000xi32, #tpu.memory_space<vmem>>, %arg8: memref<10000xi32, #tpu.memory_space<vmem>>, %arg9: memref<80x128xf32, #tpu.memory_space<vmem>>, %arg10: memref<80x128xf32, #tpu.memory_space<vmem>>, %arg11: memref<80x128xf32, #tpu.memory_space<vmem>>, %arg12: memref<80x128xf32, #tpu.memory_space<vmem>>, %arg13: memref<80x128xf32, #tpu.memory_space<vmem>>, %arg14: memref<80x128xf32, #tpu.memory_space<vmem>>, %arg15: memref<80x128xf32, #tpu.memory_space<vmem>>, %arg16: memref<80x128xf32, #tpu.memory_space<vmem>>, %arg17: memref<10000xf32, #tpu.memory_space<vmem>>, %arg18: memref<!tpu.dma_semaphore, #tpu.memory_space<semaphore_mem>>, %arg19: memref<!tpu.dma_semaphore, #tpu.memory_space<semaphore_mem>>, %arg20: memref<!tpu.dma_semaphore, #tpu.memory_space<semaphore_mem>>, %arg21: memref<!tpu.dma_semaphore, #tpu.memory_space<semaphore_mem>>) attributes {dimension_semantics = [#tpu.dimension_semantics<core_parallel>, #tpu.dimension_semantics<subcore_parallel>], iteration_bounds = array<i64: 2, 16>, scalar_prefetch = 0 : i64, scratch_operands = 15 : i64, tpu.core_type = #tpu.core_type<sc_vector_subcore>, window_params = [{transform_indices = #map}, {transform_indices = #map}, {transform_indices = #map1}, {transform_indices = #map1}, {transform_indices = #map1}]} {
    %mul3A = arith.constant 2 : i32
    %mul3A_0 = arith.muli %arg1, %mul3A : i32
    %add3A = arith.addi %mul3A_0, %arg0 : i32
    %mul3A_1 = arith.constant 10000 : i32
    %mul3A_2 = arith.muli %add3A, %mul3A_1 : i32
    "tpu.region"() ({
      %run_scoped3A = tpu.sem_alloc : memref<!tpu.dma_semaphore, #tpu.memory_space<semaphore_mem>>
      %dma_start3A_53 = tpu.memref_slice %arg4[%mul3A_2] : memref<320000xi32, #tpu.memory_space<hbm>> -> memref<10000xi32, #tpu.memory_space<hbm>>
      %dma_start3A_54 = tpu.memref_slice %arg4[%mul3A_2] : memref<320000xi32, #tpu.memory_space<hbm>> -> memref<10000xi32, #tpu.memory_space<hbm>>
      tpu.enqueue_dma source(%dma_start3A_54 : memref<10000xi32, #tpu.memory_space<hbm>>) target(%arg7 : memref<10000xi32, #tpu.memory_space<vmem>>) target_semaphore(%run_scoped3A : memref<!tpu.dma_semaphore, #tpu.memory_space<semaphore_mem>>)
      %dma_wait3A_55 = tpu.memref_slice %arg4[%mul3A_2] : memref<320000xi32, #tpu.memory_space<hbm>> -> memref<10000xi32, #tpu.memory_space<hbm>>
      %dma_wait3A_56 = tpu.memref_slice %arg4[%mul3A_2] : memref<320000xi32, #tpu.memory_space<hbm>> -> memref<10000xi32, #tpu.memory_space<hbm>>
      tpu.wait_dma2 semaphore(%run_scoped3A : memref<!tpu.dma_semaphore, #tpu.memory_space<semaphore_mem>>) src(%dma_wait3A_56 : memref<10000xi32, #tpu.memory_space<hbm>>) dst(%arg7 : memref<10000xi32, #tpu.memory_space<vmem>>)
      tpu.yield
    }) : () -> ()
    "tpu.region"() ({
      %run_scoped3A = tpu.sem_alloc : memref<!tpu.dma_semaphore, #tpu.memory_space<semaphore_mem>>
      %dma_start3A_53 = tpu.memref_slice %arg5[%mul3A_2] : memref<320000xi32, #tpu.memory_space<hbm>> -> memref<10000xi32, #tpu.memory_space<hbm>>
      %dma_start3A_54 = tpu.memref_slice %arg5[%mul3A_2] : memref<320000xi32, #tpu.memory_space<hbm>> -> memref<10000xi32, #tpu.memory_space<hbm>>
      tpu.enqueue_dma source(%dma_start3A_54 : memref<10000xi32, #tpu.memory_space<hbm>>) target(%arg8 : memref<10000xi32, #tpu.memory_space<vmem>>) target_semaphore(%run_scoped3A : memref<!tpu.dma_semaphore, #tpu.memory_space<semaphore_mem>>)
      %dma_wait3A_55 = tpu.memref_slice %arg5[%mul3A_2] : memref<320000xi32, #tpu.memory_space<hbm>> -> memref<10000xi32, #tpu.memory_space<hbm>>
      %dma_wait3A_56 = tpu.memref_slice %arg5[%mul3A_2] : memref<320000xi32, #tpu.memory_space<hbm>> -> memref<10000xi32, #tpu.memory_space<hbm>>
      tpu.wait_dma2 semaphore(%run_scoped3A : memref<!tpu.dma_semaphore, #tpu.memory_space<semaphore_mem>>) src(%dma_wait3A_56 : memref<10000xi32, #tpu.memory_space<hbm>>) dst(%arg8 : memref<10000xi32, #tpu.memory_space<vmem>>)
      tpu.yield
    }) : () -> ()
    %iota3A = tpu.iota {dimensions = array<i32: 0>} : vector<16xi32>
    %broadcast_in_dim3A = arith.constant 0.000000e+00 : f32
    %broadcast_in_dim3A_3 = vector.broadcast %broadcast_in_dim3A : f32 to vector<16xf32>
    %dma_start3A = arith.constant 0 : i32
    %dma_start3A_4 = tpu.memref_slice %arg7[%dma_start3A] : memref<10000xi32, #tpu.memory_space<vmem>> -> memref<80xi32, #tpu.memory_space<vmem>>
    %dma_start3A_5 = arith.constant 0 : i32
    %dma_start3A_6 = arith.constant 0 : i32
    %dma_start3A_7 = tpu.memref_slice %arg2[%dma_start3A_5, %dma_start3A_6] : memref<10000x128xf32, #tpu.memory_space<hbm>> -> memref<10000x128xf32, #tpu.memory_space<hbm>>
    tpu.enqueue_indirect_dma source(%dma_start3A_7 : memref<10000x128xf32, #tpu.memory_space<hbm>>) target(%arg9 : memref<80x128xf32, #tpu.memory_space<vmem>>) offsets(%dma_start3A_4 : memref<80xi32, #tpu.memory_space<vmem>>) semaphore(%arg18 : memref<!tpu.dma_semaphore, #tpu.memory_space<semaphore_mem>>)
    %dma_start3A_8 = arith.constant 0 : i32
    %dma_start3A_9 = tpu.memref_slice %arg8[%dma_start3A_8] : memref<10000xi32, #tpu.memory_space<vmem>> -> memref<80xi32, #tpu.memory_space<vmem>>
    %dma_start3A_10 = arith.constant 0 : i32
    %dma_start3A_11 = arith.constant 0 : i32
    %dma_start3A_12 = tpu.memref_slice %arg3[%dma_start3A_10, %dma_start3A_11] : memref<10000x128xf32, #tpu.memory_space<hbm>> -> memref<10000x128xf32, #tpu.memory_space<hbm>>
    tpu.enqueue_indirect_dma source(%dma_start3A_12 : memref<10000x128xf32, #tpu.memory_space<hbm>>) target(%arg10 : memref<80x128xf32, #tpu.memory_space<vmem>>) offsets(%dma_start3A_9 : memref<80xi32, #tpu.memory_space<vmem>>) semaphore(%arg18 : memref<!tpu.dma_semaphore, #tpu.memory_space<semaphore_mem>>)
    %dma_start3A_13 = arith.constant 80 : i32
    %dma_start3A_14 = tpu.memref_slice %arg7[%dma_start3A_13] : memref<10000xi32, #tpu.memory_space<vmem>> -> memref<80xi32, #tpu.memory_space<vmem>>
    %dma_start3A_15 = arith.constant 0 : i32
    %dma_start3A_16 = arith.constant 0 : i32
    %dma_start3A_17 = tpu.memref_slice %arg2[%dma_start3A_15, %dma_start3A_16] : memref<10000x128xf32, #tpu.memory_space<hbm>> -> memref<10000x128xf32, #tpu.memory_space<hbm>>
    tpu.enqueue_indirect_dma source(%dma_start3A_17 : memref<10000x128xf32, #tpu.memory_space<hbm>>) target(%arg11 : memref<80x128xf32, #tpu.memory_space<vmem>>) offsets(%dma_start3A_14 : memref<80xi32, #tpu.memory_space<vmem>>) semaphore(%arg19 : memref<!tpu.dma_semaphore, #tpu.memory_space<semaphore_mem>>)
    %dma_start3A_18 = arith.constant 80 : i32
    %dma_start3A_19 = tpu.memref_slice %arg8[%dma_start3A_18] : memref<10000xi32, #tpu.memory_space<vmem>> -> memref<80xi32, #tpu.memory_space<vmem>>
    %dma_start3A_20 = arith.constant 0 : i32
    %dma_start3A_21 = arith.constant 0 : i32
    %dma_start3A_22 = tpu.memref_slice %arg3[%dma_start3A_20, %dma_start3A_21] : memref<10000x128xf32, #tpu.memory_space<hbm>> -> memref<10000x128xf32, #tpu.memory_space<hbm>>
    tpu.enqueue_indirect_dma source(%dma_start3A_22 : memref<10000x128xf32, #tpu.memory_space<hbm>>) target(%arg12 : memref<80x128xf32, #tpu.memory_space<vmem>>) offsets(%dma_start3A_19 : memref<80xi32, #tpu.memory_space<vmem>>) semaphore(%arg19 : memref<!tpu.dma_semaphore, #tpu.memory_space<semaphore_mem>>)
    %dma_start3A_23 = arith.constant 160 : i32
    %dma_start3A_24 = tpu.memref_slice %arg7[%dma_start3A_23] : memref<10000xi32, #tpu.memory_space<vmem>> -> memref<80xi32, #tpu.memory_space<vmem>>
    %dma_start3A_25 = arith.constant 0 : i32
    %dma_start3A_26 = arith.constant 0 : i32
    %dma_start3A_27 = tpu.memref_slice %arg2[%dma_start3A_25, %dma_start3A_26] : memref<10000x128xf32, #tpu.memory_space<hbm>> -> memref<10000x128xf32, #tpu.memory_space<hbm>>
    tpu.enqueue_indirect_dma source(%dma_start3A_27 : memref<10000x128xf32, #tpu.memory_space<hbm>>) target(%arg13 : memref<80x128xf32, #tpu.memory_space<vmem>>) offsets(%dma_start3A_24 : memref<80xi32, #tpu.memory_space<vmem>>) semaphore(%arg20 : memref<!tpu.dma_semaphore, #tpu.memory_space<semaphore_mem>>)
    %dma_start3A_28 = arith.constant 160 : i32
    %dma_start3A_29 = tpu.memref_slice %arg8[%dma_start3A_28] : memref<10000xi32, #tpu.memory_space<vmem>> -> memref<80xi32, #tpu.memory_space<vmem>>
    %dma_start3A_30 = arith.constant 0 : i32
    %dma_start3A_31 = arith.constant 0 : i32
    %dma_start3A_32 = tpu.memref_slice %arg3[%dma_start3A_30, %dma_start3A_31] : memref<10000x128xf32, #tpu.memory_space<hbm>> -> memref<10000x128xf32, #tpu.memory_space<hbm>>
    tpu.enqueue_indirect_dma source(%dma_start3A_32 : memref<10000x128xf32, #tpu.memory_space<hbm>>) target(%arg14 : memref<80x128xf32, #tpu.memory_space<vmem>>) offsets(%dma_start3A_29 : memref<80xi32, #tpu.memory_space<vmem>>) semaphore(%arg20 : memref<!tpu.dma_semaphore, #tpu.memory_space<semaphore_mem>>)
    %scan3A = arith.constant 0 : i32
    %scan3A_33 = arith.constant 0 : i32
    %scan3A_34 = arith.constant 31 : i32
    %scan3A_35 = arith.addi %scan3A_33, %scan3A_34 : i32
    %scan3A_36 = arith.constant 1 : i32
    scf.for %scan3A_53 = %scan3A_33 to %scan3A_35 step %scan3A_36  : i32 {
      %mul3A_54 = arith.constant 4 : i32
      %mul3A_55 = arith.muli %mul3A_54, %scan3A_53 : i32
      %add3A_56 = arith.constant 0 : i32
      %add3A_57 = arith.addi %mul3A_55, %add3A_56 : i32
      %mul3A_58 = arith.constant 80 : i32
      %mul3A_59 = arith.muli %add3A_57, %mul3A_58 : i32
      %dma_wait3A_60 = tpu.memref_slice %arg7[%mul3A_59] : memref<10000xi32, #tpu.memory_space<vmem>> -> memref<80xi32, #tpu.memory_space<vmem>>
      %dma_wait3A_61 = arith.constant 0 : i32
      %dma_wait3A_62 = arith.constant 0 : i32
      %dma_wait3A_63 = tpu.memref_slice %arg2[%dma_wait3A_61, %dma_wait3A_62] : memref<10000x128xf32, #tpu.memory_space<hbm>> -> memref<10000x128xf32, #tpu.memory_space<hbm>>
      tpu.wait_indirect_dma semaphore(%arg18 : memref<!tpu.dma_semaphore, #tpu.memory_space<semaphore_mem>>) src(%dma_wait3A_63 : memref<10000x128xf32, #tpu.memory_space<hbm>>) dst(%arg9 : memref<80x128xf32, #tpu.memory_space<vmem>>)
      %dma_wait3A_64 = tpu.memref_slice %arg8[%mul3A_59] : memref<10000xi32, #tpu.memory_space<vmem>> -> memref<80xi32, #tpu.memory_space<vmem>>
      %dma_wait3A_65 = arith.constant 0 : i32
      %dma_wait3A_66 = arith.constant 0 : i32
      %dma_wait3A_67 = tpu.memref_slice %arg3[%dma_wait3A_65, %dma_wait3A_66] : memref<10000x128xf32, #tpu.memory_space<hbm>> -> memref<10000x128xf32, #tpu.memory_space<hbm>>
      tpu.wait_indirect_dma semaphore(%arg18 : memref<!tpu.dma_semaphore, #tpu.memory_space<semaphore_mem>>) src(%dma_wait3A_67 : memref<10000x128xf32, #tpu.memory_space<hbm>>) dst(%arg10 : memref<80x128xf32, #tpu.memory_space<vmem>>)
      %add3A_68 = arith.constant 4 : i32
      %add3A_69 = arith.addi %add3A_57, %add3A_68 : i32
      %sub3A = arith.constant 1 : i32
      %sub3A_70 = arith.subi %add3A_69, %sub3A : i32
      %lt3A = arith.constant 125 : i32
      %lt3A_71 = arith.cmpi slt, %sub3A_70, %lt3A : i32
      %convert_element_type3A = arith.extui %lt3A_71 : i1 to i32
      %cond3A = arith.constant 0 : i32
      %cond3A_72 = arith.cmpi ne, %convert_element_type3A, %cond3A : i32
      scf.if %cond3A_72 {
        %add3A_174 = arith.constant 4 : i32
        %add3A_175 = arith.addi %add3A_57, %add3A_174 : i32
        %sub3A_176 = arith.constant 1 : i32
        %sub3A_177 = arith.subi %add3A_175, %sub3A_176 : i32
        %mul3A_178 = arith.constant 80 : i32
        %mul3A_179 = arith.muli %sub3A_177, %mul3A_178 : i32
        %dma_start3A_180 = tpu.memref_slice %arg7[%mul3A_179] : memref<10000xi32, #tpu.memory_space<vmem>> -> memref<80xi32, #tpu.memory_space<vmem>>
        %dma_start3A_181 = arith.constant 0 : i32
        %dma_start3A_182 = arith.constant 0 : i32
        %dma_start3A_183 = tpu.memref_slice %arg2[%dma_start3A_181, %dma_start3A_182] : memref<10000x128xf32, #tpu.memory_space<hbm>> -> memref<10000x128xf32, #tpu.memory_space<hbm>>
        tpu.enqueue_indirect_dma source(%dma_start3A_183 : memref<10000x128xf32, #tpu.memory_space<hbm>>) target(%arg15 : memref<80x128xf32, #tpu.memory_space<vmem>>) offsets(%dma_start3A_180 : memref<80xi32, #tpu.memory_space<vmem>>) semaphore(%arg21 : memref<!tpu.dma_semaphore, #tpu.memory_space<semaphore_mem>>)
        %dma_start3A_184 = tpu.memref_slice %arg8[%mul3A_179] : memref<10000xi32, #tpu.memory_space<vmem>> -> memref<80xi32, #tpu.memory_space<vmem>>
        %dma_start3A_185 = arith.constant 0 : i32
        %dma_start3A_186 = arith.constant 0 : i32
        %dma_start3A_187 = tpu.memref_slice %arg3[%dma_start3A_185, %dma_start3A_186] : memref<10000x128xf32, #tpu.memory_space<hbm>> -> memref<10000x128xf32, #tpu.memory_space<hbm>>
        tpu.enqueue_indirect_dma source(%dma_start3A_187 : memref<10000x128xf32, #tpu.memory_space<hbm>>) target(%arg16 : memref<80x128xf32, #tpu.memory_space<vmem>>) offsets(%dma_start3A_184 : memref<80xi32, #tpu.memory_space<vmem>>) semaphore(%arg21 : memref<!tpu.dma_semaphore, #tpu.memory_space<semaphore_mem>>)
      } else {
      }
      %mul3A_73 = arith.constant 80 : i32
      %mul3A_74 = arith.muli %add3A_57, %mul3A_73 : i32
      %scan3A_75 = arith.constant 0 : i32
      %scan3A_76 = arith.constant 0 : i32
      %scan3A_77 = arith.constant 5 : i32
      %scan3A_78 = arith.addi %scan3A_76, %scan3A_77 : i32
      %scan3A_79 = arith.constant 1 : i32
      scf.for %scan3A_174 = %scan3A_76 to %scan3A_78 step %scan3A_79  : i32 {
        %mul3A_175 = arith.constant 16 : i32
        %mul3A_176 = arith.muli %scan3A_174, %mul3A_175 : i32
        %add3A_177 = vector.broadcast %mul3A_176 : i32 to vector<16xi32>
        %add3A_178 = arith.addi %add3A_177, %iota3A : vector<16xi32>
        %scan3A_179 = arith.constant 0 : i32
        %scan3A_180 = arith.constant 32 : i32
        %scan3A_181 = arith.addi %scan3A_179, %scan3A_180 : i32
        %scan3A_182 = arith.constant 1 : i32
        %scan3A_183:4 = scf.for %scan3A_199 = %scan3A_179 to %scan3A_181 step %scan3A_182 iter_args(%scan3A_200 = %broadcast_in_dim3A_3, %scan3A_201 = %broadcast_in_dim3A_3, %scan3A_202 = %broadcast_in_dim3A_3, %scan3A_203 = %broadcast_in_dim3A_3) -> (vector<16xf32>, vector<16xf32>, vector<16xf32>, vector<16xf32>)  : i32 {
          %mul3A_204 = arith.constant 4 : i32
          %mul3A_205 = arith.muli %scan3A_199, %mul3A_204 : i32
          %add3A_206 = vector.broadcast %mul3A_205 : i32 to vector<16xi32>
          %add3A_207 = arith.addi %iota3A, %add3A_206 : vector<16xi32>
          %and3A = arith.constant 127 : i32
          %and3A_208 = vector.broadcast %and3A : i32 to vector<16xi32>
          %and3A_209 = arith.andi %add3A_207, %and3A_208 : vector<16xi32>
          %add3A_210 = arith.constant 1 : i32
          %add3A_211 = arith.addi %mul3A_205, %add3A_210 : i32
          %add3A_212 = vector.broadcast %add3A_211 : i32 to vector<16xi32>
          %add3A_213 = arith.addi %iota3A, %add3A_212 : vector<16xi32>
          %and3A_214 = arith.constant 127 : i32
          %and3A_215 = vector.broadcast %and3A_214 : i32 to vector<16xi32>
          %and3A_216 = arith.andi %add3A_213, %and3A_215 : vector<16xi32>
          %add3A_217 = arith.constant 2 : i32
          %add3A_218 = arith.addi %mul3A_205, %add3A_217 : i32
          %add3A_219 = vector.broadcast %add3A_218 : i32 to vector<16xi32>
          %add3A_220 = arith.addi %iota3A, %add3A_219 : vector<16xi32>
          %and3A_221 = arith.constant 127 : i32
          %and3A_222 = vector.broadcast %and3A_221 : i32 to vector<16xi32>
          %and3A_223 = arith.andi %add3A_220, %and3A_222 : vector<16xi32>
          %add3A_224 = arith.constant 3 : i32
          %add3A_225 = arith.addi %mul3A_205, %add3A_224 : i32
          %add3A_226 = vector.broadcast %add3A_225 : i32 to vector<16xi32>
          %add3A_227 = arith.addi %iota3A, %add3A_226 : vector<16xi32>
          %and3A_228 = arith.constant 127 : i32
          %and3A_229 = vector.broadcast %and3A_228 : i32 to vector<16xi32>
          %and3A_230 = arith.andi %add3A_227, %and3A_229 : vector<16xi32>
          %gather3A = tpu.vector_load_idx %arg9[%add3A_178, %and3A_209] : memref<80x128xf32, #tpu.memory_space<vmem>>[vector<16xi32>, vector<16xi32>], vector<16xf32>,
          %gather3A_231 = tpu.vector_load_idx %arg10[%add3A_178, %and3A_209] : memref<80x128xf32, #tpu.memory_space<vmem>>[vector<16xi32>, vector<16xi32>], vector<16xf32>,
          %mul3A_232 = arith.mulf %gather3A, %gather3A_231 : vector<16xf32>
          %add3A_233 = arith.addf %scan3A_200, %mul3A_232 : vector<16xf32>
          %gather3A_234 = tpu.vector_load_idx %arg9[%add3A_178, %and3A_216] : memref<80x128xf32, #tpu.memory_space<vmem>>[vector<16xi32>, vector<16xi32>], vector<16xf32>,
          %gather3A_235 = tpu.vector_load_idx %arg10[%add3A_178, %and3A_216] : memref<80x128xf32, #tpu.memory_space<vmem>>[vector<16xi32>, vector<16xi32>], vector<16xf32>,
          %mul3A_236 = arith.mulf %gather3A_234, %gather3A_235 : vector<16xf32>
          %add3A_237 = arith.addf %scan3A_201, %mul3A_236 : vector<16xf32>
          %gather3A_238 = tpu.vector_load_idx %arg9[%add3A_178, %and3A_223] : memref<80x128xf32, #tpu.memory_space<vmem>>[vector<16xi32>, vector<16xi32>], vector<16xf32>,
          %gather3A_239 = tpu.vector_load_idx %arg10[%add3A_178, %and3A_223] : memref<80x128xf32, #tpu.memory_space<vmem>>[vector<16xi32>, vector<16xi32>], vector<16xf32>,
          %mul3A_240 = arith.mulf %gather3A_238, %gather3A_239 : vector<16xf32>
          %add3A_241 = arith.addf %scan3A_202, %mul3A_240 : vector<16xf32>
          %gather3A_242 = tpu.vector_load_idx %arg9[%add3A_178, %and3A_230] : memref<80x128xf32, #tpu.memory_space<vmem>>[vector<16xi32>, vector<16xi32>], vector<16xf32>,
          %gather3A_243 = tpu.vector_load_idx %arg10[%add3A_178, %and3A_230] : memref<80x128xf32, #tpu.memory_space<vmem>>[vector<16xi32>, vector<16xi32>], vector<16xf32>,
          %mul3A_244 = arith.mulf %gather3A_242, %gather3A_243 : vector<16xf32>
          %add3A_245 = arith.addf %scan3A_203, %mul3A_244 : vector<16xf32>
          scf.yield %add3A_233, %add3A_237, %add3A_241, %add3A_245 : vector<16xf32>, vector<16xf32>, vector<16xf32>, vector<16xf32>
        }
        %scan3A_184 = arith.constant 32 : i32
        %add3A_185 = arith.addf %scan3A_183#0, %scan3A_183#1 : vector<16xf32>
        %add3A_186 = arith.addf %scan3A_183#2, %scan3A_183#3 : vector<16xf32>
        %add3A_187 = arith.addf %add3A_185, %add3A_186 : vector<16xf32>
        %neg3A = arith.constant 0.000000e+00 : f32
        %neg3A_188 = vector.broadcast %neg3A : f32 to vector<16xf32>
        %neg3A_189 = arith.subf %neg3A_188, %add3A_187 : vector<16xf32>
        %exp3A = math.exp %neg3A_189 : vector<16xf32>
        %add3A_190 = arith.constant 1.000000e+00 : f32
        %add3A_191 = vector.broadcast %add3A_190 : f32 to vector<16xf32>
        %add3A_192 = arith.addf %add3A_191, %exp3A : vector<16xf32>
        %div3A = arith.constant 1.000000e+00 : f32
        %div3A_193 = vector.broadcast %div3A : f32 to vector<16xf32>
        %div3A_194 = arith.divf %div3A_193, %add3A_192 : vector<16xf32>
        %mul3A_195 = arith.constant 16 : i32
        %mul3A_196 = arith.muli %scan3A_174, %mul3A_195 : i32
        %add3A_197 = arith.addi %mul3A_74, %mul3A_196 : i32
        %swap3A = arith.index_cast %add3A_197 : i32 to index
        %swap3A_198 = tpu.vector_load %arg17[%swap3A] {strides = array<i32>} : memref<10000xf32, #tpu.memory_space<vmem>>, vector<16xf32>,
        tpu.vector_store %arg17[%swap3A], %div3A_194 {strides = array<i32>} : memref<10000xf32, #tpu.memory_space<vmem>>, vector<16xf32>,
      }
      %scan3A_80 = arith.constant 5 : i32
      %mul3A_81 = arith.constant 4 : i32
      %mul3A_82 = arith.muli %mul3A_81, %scan3A_53 : i32
      %add3A_83 = arith.constant 1 : i32
      %add3A_84 = arith.addi %mul3A_82, %add3A_83 : i32
      %mul3A_85 = arith.constant 80 : i32
      %mul3A_86 = arith.muli %add3A_84, %mul3A_85 : i32
      %dma_wait3A_87 = tpu.memref_slice %arg7[%mul3A_86] : memref<10000xi32, #tpu.memory_space<vmem>> -> memref<80xi32, #tpu.memory_space<vmem>>
      %dma_wait3A_88 = arith.constant 0 : i32
      %dma_wait3A_89 = arith.constant 0 : i32
      %dma_wait3A_90 = tpu.memref_slice %arg2[%dma_wait3A_88, %dma_wait3A_89] : memref<10000x128xf32, #tpu.memory_space<hbm>> -> memref<10000x128xf32, #tpu.memory_space<hbm>>
      tpu.wait_indirect_dma semaphore(%arg19 : memref<!tpu.dma_semaphore, #tpu.memory_space<semaphore_mem>>) src(%dma_wait3A_90 : memref<10000x128xf32, #tpu.memory_space<hbm>>) dst(%arg11 : memref<80x128xf32, #tpu.memory_space<vmem>>)
      %dma_wait3A_91 = tpu.memref_slice %arg8[%mul3A_86] : memref<10000xi32, #tpu.memory_space<vmem>> -> memref<80xi32, #tpu.memory_space<vmem>>
      %dma_wait3A_92 = arith.constant 0 : i32
      %dma_wait3A_93 = arith.constant 0 : i32
      %dma_wait3A_94 = tpu.memref_slice %arg3[%dma_wait3A_92, %dma_wait3A_93] : memref<10000x128xf32, #tpu.memory_space<hbm>> -> memref<10000x128xf32, #tpu.memory_space<hbm>>
      tpu.wait_indirect_dma semaphore(%arg19 : memref<!tpu.dma_semaphore, #tpu.memory_space<semaphore_mem>>) src(%dma_wait3A_94 : memref<10000x128xf32, #tpu.memory_space<hbm>>) dst(%arg12 : memref<80x128xf32, #tpu.memory_space<vmem>>)
      %add3A_95 = arith.constant 4 : i32
      %add3A_96 = arith.addi %add3A_84, %add3A_95 : i32
      %sub3A_97 = arith.constant 1 : i32
      %sub3A_98 = arith.subi %add3A_96, %sub3A_97 : i32
      %lt3A_99 = arith.constant 125 : i32
      %lt3A_100 = arith.cmpi slt, %sub3A_98, %lt3A_99 : i32
      %convert_element_type3A_101 = arith.extui %lt3A_100 : i1 to i32
      %cond3A_102 = arith.constant 0 : i32
      %cond3A_103 = arith.cmpi ne, %convert_element_type3A_101, %cond3A_102 : i32
      scf.if %cond3A_103 {
        %add3A_174 = arith.constant 4 : i32
        %add3A_175 = arith.addi %add3A_84, %add3A_174 : i32
        %sub3A_176 = arith.constant 1 : i32
        %sub3A_177 = arith.subi %add3A_175, %sub3A_176 : i32
        %mul3A_178 = arith.constant 80 : i32
        %mul3A_179 = arith.muli %sub3A_177, %mul3A_178 : i32
        %dma_start3A_180 = tpu.memref_slice %arg7[%mul3A_179] : memref<10000xi32, #tpu.memory_space<vmem>> -> memref<80xi32, #tpu.memory_space<vmem>>
        %dma_start3A_181 = arith.constant 0 : i32
        %dma_start3A_182 = arith.constant 0 : i32
        %dma_start3A_183 = tpu.memref_slice %arg2[%dma_start3A_181, %dma_start3A_182] : memref<10000x128xf32, #tpu.memory_space<hbm>> -> memref<10000x128xf32, #tpu.memory_space<hbm>>
        tpu.enqueue_indirect_dma source(%dma_start3A_183 : memref<10000x128xf32, #tpu.memory_space<hbm>>) target(%arg9 : memref<80x128xf32, #tpu.memory_space<vmem>>) offsets(%dma_start3A_180 : memref<80xi32, #tpu.memory_space<vmem>>) semaphore(%arg18 : memref<!tpu.dma_semaphore, #tpu.memory_space<semaphore_mem>>)
        %dma_start3A_184 = tpu.memref_slice %arg8[%mul3A_179] : memref<10000xi32, #tpu.memory_space<vmem>> -> memref<80xi32, #tpu.memory_space<vmem>>
        %dma_start3A_185 = arith.constant 0 : i32
        %dma_start3A_186 = arith.constant 0 : i32
        %dma_start3A_187 = tpu.memref_slice %arg3[%dma_start3A_185, %dma_start3A_186] : memref<10000x128xf32, #tpu.memory_space<hbm>> -> memref<10000x128xf32, #tpu.memory_space<hbm>>
        tpu.enqueue_indirect_dma source(%dma_start3A_187 : memref<10000x128xf32, #tpu.memory_space<hbm>>) target(%arg10 : memref<80x128xf32, #tpu.memory_space<vmem>>) offsets(%dma_start3A_184 : memref<80xi32, #tpu.memory_space<vmem>>) semaphore(%arg18 : memref<!tpu.dma_semaphore, #tpu.memory_space<semaphore_mem>>)
      } else {
      }
      %mul3A_104 = arith.constant 80 : i32
      %mul3A_105 = arith.muli %add3A_84, %mul3A_104 : i32
      %scan3A_106 = arith.constant 0 : i32
      %scan3A_107 = arith.constant 0 : i32
      %scan3A_108 = arith.constant 5 : i32
      %scan3A_109 = arith.addi %scan3A_107, %scan3A_108 : i32
      %scan3A_110 = arith.constant 1 : i32
      scf.for %scan3A_174 = %scan3A_107 to %scan3A_109 step %scan3A_110  : i32 {
        %mul3A_175 = arith.constant 16 : i32
        %mul3A_176 = arith.muli %scan3A_174, %mul3A_175 : i32
        %add3A_177 = vector.broadcast %mul3A_176 : i32 to vector<16xi32>
        %add3A_178 = arith.addi %add3A_177, %iota3A : vector<16xi32>
        %scan3A_179 = arith.constant 0 : i32
        %scan3A_180 = arith.constant 32 : i32
        %scan3A_181 = arith.addi %scan3A_179, %scan3A_180 : i32
        %scan3A_182 = arith.constant 1 : i32
        %scan3A_183:4 = scf.for %scan3A_199 = %scan3A_179 to %scan3A_181 step %scan3A_182 iter_args(%scan3A_200 = %broadcast_in_dim3A_3, %scan3A_201 = %broadcast_in_dim3A_3, %scan3A_202 = %broadcast_in_dim3A_3, %scan3A_203 = %broadcast_in_dim3A_3) -> (vector<16xf32>, vector<16xf32>, vector<16xf32>, vector<16xf32>)  : i32 {
          %mul3A_204 = arith.constant 4 : i32
          %mul3A_205 = arith.muli %scan3A_199, %mul3A_204 : i32
          %add3A_206 = vector.broadcast %mul3A_205 : i32 to vector<16xi32>
          %add3A_207 = arith.addi %iota3A, %add3A_206 : vector<16xi32>
          %and3A = arith.constant 127 : i32
          %and3A_208 = vector.broadcast %and3A : i32 to vector<16xi32>
          %and3A_209 = arith.andi %add3A_207, %and3A_208 : vector<16xi32>
          %add3A_210 = arith.constant 1 : i32
          %add3A_211 = arith.addi %mul3A_205, %add3A_210 : i32
          %add3A_212 = vector.broadcast %add3A_211 : i32 to vector<16xi32>
          %add3A_213 = arith.addi %iota3A, %add3A_212 : vector<16xi32>
          %and3A_214 = arith.constant 127 : i32
          %and3A_215 = vector.broadcast %and3A_214 : i32 to vector<16xi32>
          %and3A_216 = arith.andi %add3A_213, %and3A_215 : vector<16xi32>
          %add3A_217 = arith.constant 2 : i32
          %add3A_218 = arith.addi %mul3A_205, %add3A_217 : i32
          %add3A_219 = vector.broadcast %add3A_218 : i32 to vector<16xi32>
          %add3A_220 = arith.addi %iota3A, %add3A_219 : vector<16xi32>
          %and3A_221 = arith.constant 127 : i32
          %and3A_222 = vector.broadcast %and3A_221 : i32 to vector<16xi32>
          %and3A_223 = arith.andi %add3A_220, %and3A_222 : vector<16xi32>
          %add3A_224 = arith.constant 3 : i32
          %add3A_225 = arith.addi %mul3A_205, %add3A_224 : i32
          %add3A_226 = vector.broadcast %add3A_225 : i32 to vector<16xi32>
          %add3A_227 = arith.addi %iota3A, %add3A_226 : vector<16xi32>
          %and3A_228 = arith.constant 127 : i32
          %and3A_229 = vector.broadcast %and3A_228 : i32 to vector<16xi32>
          %and3A_230 = arith.andi %add3A_227, %and3A_229 : vector<16xi32>
          %gather3A = tpu.vector_load_idx %arg11[%add3A_178, %and3A_209] : memref<80x128xf32, #tpu.memory_space<vmem>>[vector<16xi32>, vector<16xi32>], vector<16xf32>,
          %gather3A_231 = tpu.vector_load_idx %arg12[%add3A_178, %and3A_209] : memref<80x128xf32, #tpu.memory_space<vmem>>[vector<16xi32>, vector<16xi32>], vector<16xf32>,
          %mul3A_232 = arith.mulf %gather3A, %gather3A_231 : vector<16xf32>
          %add3A_233 = arith.addf %scan3A_200, %mul3A_232 : vector<16xf32>
          %gather3A_234 = tpu.vector_load_idx %arg11[%add3A_178, %and3A_216] : memref<80x128xf32, #tpu.memory_space<vmem>>[vector<16xi32>, vector<16xi32>], vector<16xf32>,
          %gather3A_235 = tpu.vector_load_idx %arg12[%add3A_178, %and3A_216] : memref<80x128xf32, #tpu.memory_space<vmem>>[vector<16xi32>, vector<16xi32>], vector<16xf32>,
          %mul3A_236 = arith.mulf %gather3A_234, %gather3A_235 : vector<16xf32>
          %add3A_237 = arith.addf %scan3A_201, %mul3A_236 : vector<16xf32>
          %gather3A_238 = tpu.vector_load_idx %arg11[%add3A_178, %and3A_223] : memref<80x128xf32, #tpu.memory_space<vmem>>[vector<16xi32>, vector<16xi32>], vector<16xf32>,
          %gather3A_239 = tpu.vector_load_idx %arg12[%add3A_178, %and3A_223] : memref<80x128xf32, #tpu.memory_space<vmem>>[vector<16xi32>, vector<16xi32>], vector<16xf32>,
          %mul3A_240 = arith.mulf %gather3A_238, %gather3A_239 : vector<16xf32>
          %add3A_241 = arith.addf %scan3A_202, %mul3A_240 : vector<16xf32>
          %gather3A_242 = tpu.vector_load_idx %arg11[%add3A_178, %and3A_230] : memref<80x128xf32, #tpu.memory_space<vmem>>[vector<16xi32>, vector<16xi32>], vector<16xf32>,
          %gather3A_243 = tpu.vector_load_idx %arg12[%add3A_178, %and3A_230] : memref<80x128xf32, #tpu.memory_space<vmem>>[vector<16xi32>, vector<16xi32>], vector<16xf32>,
          %mul3A_244 = arith.mulf %gather3A_242, %gather3A_243 : vector<16xf32>
          %add3A_245 = arith.addf %scan3A_203, %mul3A_244 : vector<16xf32>
          scf.yield %add3A_233, %add3A_237, %add3A_241, %add3A_245 : vector<16xf32>, vector<16xf32>, vector<16xf32>, vector<16xf32>
        }
        %scan3A_184 = arith.constant 32 : i32
        %add3A_185 = arith.addf %scan3A_183#0, %scan3A_183#1 : vector<16xf32>
        %add3A_186 = arith.addf %scan3A_183#2, %scan3A_183#3 : vector<16xf32>
        %add3A_187 = arith.addf %add3A_185, %add3A_186 : vector<16xf32>
        %neg3A = arith.constant 0.000000e+00 : f32
        %neg3A_188 = vector.broadcast %neg3A : f32 to vector<16xf32>
        %neg3A_189 = arith.subf %neg3A_188, %add3A_187 : vector<16xf32>
        %exp3A = math.exp %neg3A_189 : vector<16xf32>
        %add3A_190 = arith.constant 1.000000e+00 : f32
        %add3A_191 = vector.broadcast %add3A_190 : f32 to vector<16xf32>
        %add3A_192 = arith.addf %add3A_191, %exp3A : vector<16xf32>
        %div3A = arith.constant 1.000000e+00 : f32
        %div3A_193 = vector.broadcast %div3A : f32 to vector<16xf32>
        %div3A_194 = arith.divf %div3A_193, %add3A_192 : vector<16xf32>
        %mul3A_195 = arith.constant 16 : i32
        %mul3A_196 = arith.muli %scan3A_174, %mul3A_195 : i32
        %add3A_197 = arith.addi %mul3A_105, %mul3A_196 : i32
        %swap3A = arith.index_cast %add3A_197 : i32 to index
        %swap3A_198 = tpu.vector_load %arg17[%swap3A] {strides = array<i32>} : memref<10000xf32, #tpu.memory_space<vmem>>, vector<16xf32>,
        tpu.vector_store %arg17[%swap3A], %div3A_194 {strides = array<i32>} : memref<10000xf32, #tpu.memory_space<vmem>>, vector<16xf32>,
      }
      %scan3A_111 = arith.constant 5 : i32
      %mul3A_112 = arith.constant 4 : i32
      %mul3A_113 = arith.muli %mul3A_112, %scan3A_53 : i32
      %add3A_114 = arith.constant 2 : i32
      %add3A_115 = arith.addi %mul3A_113, %add3A_114 : i32
      %mul3A_116 = arith.constant 80 : i32
      %mul3A_117 = arith.muli %add3A_115, %mul3A_116 : i32
      %dma_wait3A_118 = tpu.memref_slice %arg7[%mul3A_117] : memref<10000xi32, #tpu.memory_space<vmem>> -> memref<80xi32, #tpu.memory_space<vmem>>
      %dma_wait3A_119 = arith.constant 0 : i32
      %dma_wait3A_120 = arith.constant 0 : i32
      %dma_wait3A_121 = tpu.memref_slice %arg2[%dma_wait3A_119, %dma_wait3A_120] : memref<10000x128xf32, #tpu.memory_space<hbm>> -> memref<10000x128xf32, #tpu.memory_space<hbm>>
      tpu.wait_indirect_dma semaphore(%arg20 : memref<!tpu.dma_semaphore, #tpu.memory_space<semaphore_mem>>) src(%dma_wait3A_121 : memref<10000x128xf32, #tpu.memory_space<hbm>>) dst(%arg13 : memref<80x128xf32, #tpu.memory_space<vmem>>)
      %dma_wait3A_122 = tpu.memref_slice %arg8[%mul3A_117] : memref<10000xi32, #tpu.memory_space<vmem>> -> memref<80xi32, #tpu.memory_space<vmem>>
      %dma_wait3A_123 = arith.constant 0 : i32
      %dma_wait3A_124 = arith.constant 0 : i32
      %dma_wait3A_125 = tpu.memref_slice %arg3[%dma_wait3A_123, %dma_wait3A_124] : memref<10000x128xf32, #tpu.memory_space<hbm>> -> memref<10000x128xf32, #tpu.memory_space<hbm>>
      tpu.wait_indirect_dma semaphore(%arg20 : memref<!tpu.dma_semaphore, #tpu.memory_space<semaphore_mem>>) src(%dma_wait3A_125 : memref<10000x128xf32, #tpu.memory_space<hbm>>) dst(%arg14 : memref<80x128xf32, #tpu.memory_space<vmem>>)
      %add3A_126 = arith.constant 4 : i32
      %add3A_127 = arith.addi %add3A_115, %add3A_126 : i32
      %sub3A_128 = arith.constant 1 : i32
      %sub3A_129 = arith.subi %add3A_127, %sub3A_128 : i32
      %lt3A_130 = arith.constant 125 : i32
      %lt3A_131 = arith.cmpi slt, %sub3A_129, %lt3A_130 : i32
      %convert_element_type3A_132 = arith.extui %lt3A_131 : i1 to i32
      %cond3A_133 = arith.constant 0 : i32
      %cond3A_134 = arith.cmpi ne, %convert_element_type3A_132, %cond3A_133 : i32
      scf.if %cond3A_134 {
        %add3A_174 = arith.constant 4 : i32
        %add3A_175 = arith.addi %add3A_115, %add3A_174 : i32
        %sub3A_176 = arith.constant 1 : i32
        %sub3A_177 = arith.subi %add3A_175, %sub3A_176 : i32
        %mul3A_178 = arith.constant 80 : i32
        %mul3A_179 = arith.muli %sub3A_177, %mul3A_178 : i32
        %dma_start3A_180 = tpu.memref_slice %arg7[%mul3A_179] : memref<10000xi32, #tpu.memory_space<vmem>> -> memref<80xi32, #tpu.memory_space<vmem>>
        %dma_start3A_181 = arith.constant 0 : i32
        %dma_start3A_182 = arith.constant 0 : i32
        %dma_start3A_183 = tpu.memref_slice %arg2[%dma_start3A_181, %dma_start3A_182] : memref<10000x128xf32, #tpu.memory_space<hbm>> -> memref<10000x128xf32, #tpu.memory_space<hbm>>
        tpu.enqueue_indirect_dma source(%dma_start3A_183 : memref<10000x128xf32, #tpu.memory_space<hbm>>) target(%arg11 : memref<80x128xf32, #tpu.memory_space<vmem>>) offsets(%dma_start3A_180 : memref<80xi32, #tpu.memory_space<vmem>>) semaphore(%arg19 : memref<!tpu.dma_semaphore, #tpu.memory_space<semaphore_mem>>)
        %dma_start3A_184 = tpu.memref_slice %arg8[%mul3A_179] : memref<10000xi32, #tpu.memory_space<vmem>> -> memref<80xi32, #tpu.memory_space<vmem>>
        %dma_start3A_185 = arith.constant 0 : i32
        %dma_start3A_186 = arith.constant 0 : i32
        %dma_start3A_187 = tpu.memref_slice %arg3[%dma_start3A_185, %dma_start3A_186] : memref<10000x128xf32, #tpu.memory_space<hbm>> -> memref<10000x128xf32, #tpu.memory_space<hbm>>
        tpu.enqueue_indirect_dma source(%dma_start3A_187 : memref<10000x128xf32, #tpu.memory_space<hbm>>) target(%arg12 : memref<80x128xf32, #tpu.memory_space<vmem>>) offsets(%dma_start3A_184 : memref<80xi32, #tpu.memory_space<vmem>>) semaphore(%arg19 : memref<!tpu.dma_semaphore, #tpu.memory_space<semaphore_mem>>)
      } else {
      }
      %mul3A_135 = arith.constant 80 : i32
      %mul3A_136 = arith.muli %add3A_115, %mul3A_135 : i32
      %scan3A_137 = arith.constant 0 : i32
      %scan3A_138 = arith.constant 0 : i32
      %scan3A_139 = arith.constant 5 : i32
      %scan3A_140 = arith.addi %scan3A_138, %scan3A_139 : i32
      %scan3A_141 = arith.constant 1 : i32
      scf.for %scan3A_174 = %scan3A_138 to %scan3A_140 step %scan3A_141  : i32 {
        %mul3A_175 = arith.constant 16 : i32
        %mul3A_176 = arith.muli %scan3A_174, %mul3A_175 : i32
        %add3A_177 = vector.broadcast %mul3A_176 : i32 to vector<16xi32>
        %add3A_178 = arith.addi %add3A_177, %iota3A : vector<16xi32>
        %scan3A_179 = arith.constant 0 : i32
        %scan3A_180 = arith.constant 32 : i32
        %scan3A_181 = arith.addi %scan3A_179, %scan3A_180 : i32
        %scan3A_182 = arith.constant 1 : i32
        %scan3A_183:4 = scf.for %scan3A_199 = %scan3A_179 to %scan3A_181 step %scan3A_182 iter_args(%scan3A_200 = %broadcast_in_dim3A_3, %scan3A_201 = %broadcast_in_dim3A_3, %scan3A_202 = %broadcast_in_dim3A_3, %scan3A_203 = %broadcast_in_dim3A_3) -> (vector<16xf32>, vector<16xf32>, vector<16xf32>, vector<16xf32>)  : i32 {
          %mul3A_204 = arith.constant 4 : i32
          %mul3A_205 = arith.muli %scan3A_199, %mul3A_204 : i32
          %add3A_206 = vector.broadcast %mul3A_205 : i32 to vector<16xi32>
          %add3A_207 = arith.addi %iota3A, %add3A_206 : vector<16xi32>
          %and3A = arith.constant 127 : i32
          %and3A_208 = vector.broadcast %and3A : i32 to vector<16xi32>
          %and3A_209 = arith.andi %add3A_207, %and3A_208 : vector<16xi32>
          %add3A_210 = arith.constant 1 : i32
          %add3A_211 = arith.addi %mul3A_205, %add3A_210 : i32
          %add3A_212 = vector.broadcast %add3A_211 : i32 to vector<16xi32>
          %add3A_213 = arith.addi %iota3A, %add3A_212 : vector<16xi32>
          %and3A_214 = arith.constant 127 : i32
          %and3A_215 = vector.broadcast %and3A_214 : i32 to vector<16xi32>
          %and3A_216 = arith.andi %add3A_213, %and3A_215 : vector<16xi32>
          %add3A_217 = arith.constant 2 : i32
          %add3A_218 = arith.addi %mul3A_205, %add3A_217 : i32
          %add3A_219 = vector.broadcast %add3A_218 : i32 to vector<16xi32>
          %add3A_220 = arith.addi %iota3A, %add3A_219 : vector<16xi32>
          %and3A_221 = arith.constant 127 : i32
          %and3A_222 = vector.broadcast %and3A_221 : i32 to vector<16xi32>
          %and3A_223 = arith.andi %add3A_220, %and3A_222 : vector<16xi32>
          %add3A_224 = arith.constant 3 : i32
          %add3A_225 = arith.addi %mul3A_205, %add3A_224 : i32
          %add3A_226 = vector.broadcast %add3A_225 : i32 to vector<16xi32>
          %add3A_227 = arith.addi %iota3A, %add3A_226 : vector<16xi32>
          %and3A_228 = arith.constant 127 : i32
          %and3A_229 = vector.broadcast %and3A_228 : i32 to vector<16xi32>
          %and3A_230 = arith.andi %add3A_227, %and3A_229 : vector<16xi32>
          %gather3A = tpu.vector_load_idx %arg13[%add3A_178, %and3A_209] : memref<80x128xf32, #tpu.memory_space<vmem>>[vector<16xi32>, vector<16xi32>], vector<16xf32>,
          %gather3A_231 = tpu.vector_load_idx %arg14[%add3A_178, %and3A_209] : memref<80x128xf32, #tpu.memory_space<vmem>>[vector<16xi32>, vector<16xi32>], vector<16xf32>,
          %mul3A_232 = arith.mulf %gather3A, %gather3A_231 : vector<16xf32>
          %add3A_233 = arith.addf %scan3A_200, %mul3A_232 : vector<16xf32>
          %gather3A_234 = tpu.vector_load_idx %arg13[%add3A_178, %and3A_216] : memref<80x128xf32, #tpu.memory_space<vmem>>[vector<16xi32>, vector<16xi32>], vector<16xf32>,
          %gather3A_235 = tpu.vector_load_idx %arg14[%add3A_178, %and3A_216] : memref<80x128xf32, #tpu.memory_space<vmem>>[vector<16xi32>, vector<16xi32>], vector<16xf32>,
          %mul3A_236 = arith.mulf %gather3A_234, %gather3A_235 : vector<16xf32>
          %add3A_237 = arith.addf %scan3A_201, %mul3A_236 : vector<16xf32>
          %gather3A_238 = tpu.vector_load_idx %arg13[%add3A_178, %and3A_223] : memref<80x128xf32, #tpu.memory_space<vmem>>[vector<16xi32>, vector<16xi32>], vector<16xf32>,
          %gather3A_239 = tpu.vector_load_idx %arg14[%add3A_178, %and3A_223] : memref<80x128xf32, #tpu.memory_space<vmem>>[vector<16xi32>, vector<16xi32>], vector<16xf32>,
          %mul3A_240 = arith.mulf %gather3A_238, %gather3A_239 : vector<16xf32>
          %add3A_241 = arith.addf %scan3A_202, %mul3A_240 : vector<16xf32>
          %gather3A_242 = tpu.vector_load_idx %arg13[%add3A_178, %and3A_230] : memref<80x128xf32, #tpu.memory_space<vmem>>[vector<16xi32>, vector<16xi32>], vector<16xf32>,
          %gather3A_243 = tpu.vector_load_idx %arg14[%add3A_178, %and3A_230] : memref<80x128xf32, #tpu.memory_space<vmem>>[vector<16xi32>, vector<16xi32>], vector<16xf32>,
          %mul3A_244 = arith.mulf %gather3A_242, %gather3A_243 : vector<16xf32>
          %add3A_245 = arith.addf %scan3A_203, %mul3A_244 : vector<16xf32>
          scf.yield %add3A_233, %add3A_237, %add3A_241, %add3A_245 : vector<16xf32>, vector<16xf32>, vector<16xf32>, vector<16xf32>
        }
        %scan3A_184 = arith.constant 32 : i32
        %add3A_185 = arith.addf %scan3A_183#0, %scan3A_183#1 : vector<16xf32>
        %add3A_186 = arith.addf %scan3A_183#2, %scan3A_183#3 : vector<16xf32>
        %add3A_187 = arith.addf %add3A_185, %add3A_186 : vector<16xf32>
        %neg3A = arith.constant 0.000000e+00 : f32
        %neg3A_188 = vector.broadcast %neg3A : f32 to vector<16xf32>
        %neg3A_189 = arith.subf %neg3A_188, %add3A_187 : vector<16xf32>
        %exp3A = math.exp %neg3A_189 : vector<16xf32>
        %add3A_190 = arith.constant 1.000000e+00 : f32
        %add3A_191 = vector.broadcast %add3A_190 : f32 to vector<16xf32>
        %add3A_192 = arith.addf %add3A_191, %exp3A : vector<16xf32>
        %div3A = arith.constant 1.000000e+00 : f32
        %div3A_193 = vector.broadcast %div3A : f32 to vector<16xf32>
        %div3A_194 = arith.divf %div3A_193, %add3A_192 : vector<16xf32>
        %mul3A_195 = arith.constant 16 : i32
        %mul3A_196 = arith.muli %scan3A_174, %mul3A_195 : i32
        %add3A_197 = arith.addi %mul3A_136, %mul3A_196 : i32
        %swap3A = arith.index_cast %add3A_197 : i32 to index
        %swap3A_198 = tpu.vector_load %arg17[%swap3A] {strides = array<i32>} : memref<10000xf32, #tpu.memory_space<vmem>>, vector<16xf32>,
        tpu.vector_store %arg17[%swap3A], %div3A_194 {strides = array<i32>} : memref<10000xf32, #tpu.memory_space<vmem>>, vector<16xf32>,
      }
      %scan3A_142 = arith.constant 5 : i32
      %mul3A_143 = arith.constant 4 : i32
      %mul3A_144 = arith.muli %mul3A_143, %scan3A_53 : i32
      %add3A_145 = arith.constant 3 : i32
      %add3A_146 = arith.addi %mul3A_144, %add3A_145 : i32
      %mul3A_147 = arith.constant 80 : i32
      %mul3A_148 = arith.muli %add3A_146, %mul3A_147 : i32
      %dma_wait3A_149 = tpu.memref_slice %arg7[%mul3A_148] : memref<10000xi32, #tpu.memory_space<vmem>> -> memref<80xi32, #tpu.memory_space<vmem>>
      %dma_wait3A_150 = arith.constant 0 : i32
      %dma_wait3A_151 = arith.constant 0 : i32
      %dma_wait3A_152 = tpu.memref_slice %arg2[%dma_wait3A_150, %dma_wait3A_151] : memref<10000x128xf32, #tpu.memory_space<hbm>> -> memref<10000x128xf32, #tpu.memory_space<hbm>>
      tpu.wait_indirect_dma semaphore(%arg21 : memref<!tpu.dma_semaphore, #tpu.memory_space<semaphore_mem>>) src(%dma_wait3A_152 : memref<10000x128xf32, #tpu.memory_space<hbm>>) dst(%arg15 : memref<80x128xf32, #tpu.memory_space<vmem>>)
      %dma_wait3A_153 = tpu.memref_slice %arg8[%mul3A_148] : memref<10000xi32, #tpu.memory_space<vmem>> -> memref<80xi32, #tpu.memory_space<vmem>>
      %dma_wait3A_154 = arith.constant 0 : i32
      %dma_wait3A_155 = arith.constant 0 : i32
      %dma_wait3A_156 = tpu.memref_slice %arg3[%dma_wait3A_154, %dma_wait3A_155] : memref<10000x128xf32, #tpu.memory_space<hbm>> -> memref<10000x128xf32, #tpu.memory_space<hbm>>
      tpu.wait_indirect_dma semaphore(%arg21 : memref<!tpu.dma_semaphore, #tpu.memory_space<semaphore_mem>>) src(%dma_wait3A_156 : memref<10000x128xf32, #tpu.memory_space<hbm>>) dst(%arg16 : memref<80x128xf32, #tpu.memory_space<vmem>>)
      %add3A_157 = arith.constant 4 : i32
      %add3A_158 = arith.addi %add3A_146, %add3A_157 : i32
      %sub3A_159 = arith.constant 1 : i32
      %sub3A_160 = arith.subi %add3A_158, %sub3A_159 : i32
      %lt3A_161 = arith.constant 125 : i32
      %lt3A_162 = arith.cmpi slt, %sub3A_160, %lt3A_161 : i32
      %convert_element_type3A_163 = arith.extui %lt3A_162 : i1 to i32
      %cond3A_164 = arith.constant 0 : i32
      %cond3A_165 = arith.cmpi ne, %convert_element_type3A_163, %cond3A_164 : i32
      scf.if %cond3A_165 {
        %add3A_174 = arith.constant 4 : i32
        %add3A_175 = arith.addi %add3A_146, %add3A_174 : i32
        %sub3A_176 = arith.constant 1 : i32
        %sub3A_177 = arith.subi %add3A_175, %sub3A_176 : i32
        %mul3A_178 = arith.constant 80 : i32
        %mul3A_179 = arith.muli %sub3A_177, %mul3A_178 : i32
        %dma_start3A_180 = tpu.memref_slice %arg7[%mul3A_179] : memref<10000xi32, #tpu.memory_space<vmem>> -> memref<80xi32, #tpu.memory_space<vmem>>
        %dma_start3A_181 = arith.constant 0 : i32
        %dma_start3A_182 = arith.constant 0 : i32
        %dma_start3A_183 = tpu.memref_slice %arg2[%dma_start3A_181, %dma_start3A_182] : memref<10000x128xf32, #tpu.memory_space<hbm>> -> memref<10000x128xf32, #tpu.memory_space<hbm>>
        tpu.enqueue_indirect_dma source(%dma_start3A_183 : memref<10000x128xf32, #tpu.memory_space<hbm>>) target(%arg13 : memref<80x128xf32, #tpu.memory_space<vmem>>) offsets(%dma_start3A_180 : memref<80xi32, #tpu.memory_space<vmem>>) semaphore(%arg20 : memref<!tpu.dma_semaphore, #tpu.memory_space<semaphore_mem>>)
        %dma_start3A_184 = tpu.memref_slice %arg8[%mul3A_179] : memref<10000xi32, #tpu.memory_space<vmem>> -> memref<80xi32, #tpu.memory_space<vmem>>
        %dma_start3A_185 = arith.constant 0 : i32
        %dma_start3A_186 = arith.constant 0 : i32
        %dma_start3A_187 = tpu.memref_slice %arg3[%dma_start3A_185, %dma_start3A_186] : memref<10000x128xf32, #tpu.memory_space<hbm>> -> memref<10000x128xf32, #tpu.memory_space<hbm>>
        tpu.enqueue_indirect_dma source(%dma_start3A_187 : memref<10000x128xf32, #tpu.memory_space<hbm>>) target(%arg14 : memref<80x128xf32, #tpu.memory_space<vmem>>) offsets(%dma_start3A_184 : memref<80xi32, #tpu.memory_space<vmem>>) semaphore(%arg20 : memref<!tpu.dma_semaphore, #tpu.memory_space<semaphore_mem>>)
      } else {
      }
      %mul3A_166 = arith.constant 80 : i32
      %mul3A_167 = arith.muli %add3A_146, %mul3A_166 : i32
      %scan3A_168 = arith.constant 0 : i32
      %scan3A_169 = arith.constant 0 : i32
      %scan3A_170 = arith.constant 5 : i32
      %scan3A_171 = arith.addi %scan3A_169, %scan3A_170 : i32
      %scan3A_172 = arith.constant 1 : i32
      scf.for %scan3A_174 = %scan3A_169 to %scan3A_171 step %scan3A_172  : i32 {
        %mul3A_175 = arith.constant 16 : i32
        %mul3A_176 = arith.muli %scan3A_174, %mul3A_175 : i32
        %add3A_177 = vector.broadcast %mul3A_176 : i32 to vector<16xi32>
        %add3A_178 = arith.addi %add3A_177, %iota3A : vector<16xi32>
        %scan3A_179 = arith.constant 0 : i32
        %scan3A_180 = arith.constant 32 : i32
        %scan3A_181 = arith.addi %scan3A_179, %scan3A_180 : i32
        %scan3A_182 = arith.constant 1 : i32
        %scan3A_183:4 = scf.for %scan3A_199 = %scan3A_179 to %scan3A_181 step %scan3A_182 iter_args(%scan3A_200 = %broadcast_in_dim3A_3, %scan3A_201 = %broadcast_in_dim3A_3, %scan3A_202 = %broadcast_in_dim3A_3, %scan3A_203 = %broadcast_in_dim3A_3) -> (vector<16xf32>, vector<16xf32>, vector<16xf32>, vector<16xf32>)  : i32 {
          %mul3A_204 = arith.constant 4 : i32
          %mul3A_205 = arith.muli %scan3A_199, %mul3A_204 : i32
          %add3A_206 = vector.broadcast %mul3A_205 : i32 to vector<16xi32>
          %add3A_207 = arith.addi %iota3A, %add3A_206 : vector<16xi32>
          %and3A = arith.constant 127 : i32
          %and3A_208 = vector.broadcast %and3A : i32 to vector<16xi32>
          %and3A_209 = arith.andi %add3A_207, %and3A_208 : vector<16xi32>
          %add3A_210 = arith.constant 1 : i32
          %add3A_211 = arith.addi %mul3A_205, %add3A_210 : i32
          %add3A_212 = vector.broadcast %add3A_211 : i32 to vector<16xi32>
          %add3A_213 = arith.addi %iota3A, %add3A_212 : vector<16xi32>
          %and3A_214 = arith.constant 127 : i32
          %and3A_215 = vector.broadcast %and3A_214 : i32 to vector<16xi32>
          %and3A_216 = arith.andi %add3A_213, %and3A_215 : vector<16xi32>
          %add3A_217 = arith.constant 2 : i32
          %add3A_218 = arith.addi %mul3A_205, %add3A_217 : i32
          %add3A_219 = vector.broadcast %add3A_218 : i32 to vector<16xi32>
          %add3A_220 = arith.addi %iota3A, %add3A_219 : vector<16xi32>
          %and3A_221 = arith.constant 127 : i32
          %and3A_222 = vector.broadcast %and3A_221 : i32 to vector<16xi32>
          %and3A_223 = arith.andi %add3A_220, %and3A_222 : vector<16xi32>
          %add3A_224 = arith.constant 3 : i32
          %add3A_225 = arith.addi %mul3A_205, %add3A_224 : i32
          %add3A_226 = vector.broadcast %add3A_225 : i32 to vector<16xi32>
          %add3A_227 = arith.addi %iota3A, %add3A_226 : vector<16xi32>
          %and3A_228 = arith.constant 127 : i32
          %and3A_229 = vector.broadcast %and3A_228 : i32 to vector<16xi32>
          %and3A_230 = arith.andi %add3A_227, %and3A_229 : vector<16xi32>
          %gather3A = tpu.vector_load_idx %arg15[%add3A_178, %and3A_209] : memref<80x128xf32, #tpu.memory_space<vmem>>[vector<16xi32>, vector<16xi32>], vector<16xf32>,
          %gather3A_231 = tpu.vector_load_idx %arg16[%add3A_178, %and3A_209] : memref<80x128xf32, #tpu.memory_space<vmem>>[vector<16xi32>, vector<16xi32>], vector<16xf32>,
          %mul3A_232 = arith.mulf %gather3A, %gather3A_231 : vector<16xf32>
          %add3A_233 = arith.addf %scan3A_200, %mul3A_232 : vector<16xf32>
          %gather3A_234 = tpu.vector_load_idx %arg15[%add3A_178, %and3A_216] : memref<80x128xf32, #tpu.memory_space<vmem>>[vector<16xi32>, vector<16xi32>], vector<16xf32>,
          %gather3A_235 = tpu.vector_load_idx %arg16[%add3A_178, %and3A_216] : memref<80x128xf32, #tpu.memory_space<vmem>>[vector<16xi32>, vector<16xi32>], vector<16xf32>,
          %mul3A_236 = arith.mulf %gather3A_234, %gather3A_235 : vector<16xf32>
          %add3A_237 = arith.addf %scan3A_201, %mul3A_236 : vector<16xf32>
          %gather3A_238 = tpu.vector_load_idx %arg15[%add3A_178, %and3A_223] : memref<80x128xf32, #tpu.memory_space<vmem>>[vector<16xi32>, vector<16xi32>], vector<16xf32>,
          %gather3A_239 = tpu.vector_load_idx %arg16[%add3A_178, %and3A_223] : memref<80x128xf32, #tpu.memory_space<vmem>>[vector<16xi32>, vector<16xi32>], vector<16xf32>,
          %mul3A_240 = arith.mulf %gather3A_238, %gather3A_239 : vector<16xf32>
          %add3A_241 = arith.addf %scan3A_202, %mul3A_240 : vector<16xf32>
          %gather3A_242 = tpu.vector_load_idx %arg15[%add3A_178, %and3A_230] : memref<80x128xf32, #tpu.memory_space<vmem>>[vector<16xi32>, vector<16xi32>], vector<16xf32>,
          %gather3A_243 = tpu.vector_load_idx %arg16[%add3A_178, %and3A_230] : memref<80x128xf32, #tpu.memory_space<vmem>>[vector<16xi32>, vector<16xi32>], vector<16xf32>,
          %mul3A_244 = arith.mulf %gather3A_242, %gather3A_243 : vector<16xf32>
          %add3A_245 = arith.addf %scan3A_203, %mul3A_244 : vector<16xf32>
          scf.yield %add3A_233, %add3A_237, %add3A_241, %add3A_245 : vector<16xf32>, vector<16xf32>, vector<16xf32>, vector<16xf32>
        }
        %scan3A_184 = arith.constant 32 : i32
        %add3A_185 = arith.addf %scan3A_183#0, %scan3A_183#1 : vector<16xf32>
        %add3A_186 = arith.addf %scan3A_183#2, %scan3A_183#3 : vector<16xf32>
        %add3A_187 = arith.addf %add3A_185, %add3A_186 : vector<16xf32>
        %neg3A = arith.constant 0.000000e+00 : f32
        %neg3A_188 = vector.broadcast %neg3A : f32 to vector<16xf32>
        %neg3A_189 = arith.subf %neg3A_188, %add3A_187 : vector<16xf32>
        %exp3A = math.exp %neg3A_189 : vector<16xf32>
        %add3A_190 = arith.constant 1.000000e+00 : f32
        %add3A_191 = vector.broadcast %add3A_190 : f32 to vector<16xf32>
        %add3A_192 = arith.addf %add3A_191, %exp3A : vector<16xf32>
        %div3A = arith.constant 1.000000e+00 : f32
        %div3A_193 = vector.broadcast %div3A : f32 to vector<16xf32>
        %div3A_194 = arith.divf %div3A_193, %add3A_192 : vector<16xf32>
        %mul3A_195 = arith.constant 16 : i32
        %mul3A_196 = arith.muli %scan3A_174, %mul3A_195 : i32
        %add3A_197 = arith.addi %mul3A_167, %mul3A_196 : i32
        %swap3A = arith.index_cast %add3A_197 : i32 to index
        %swap3A_198 = tpu.vector_load %arg17[%swap3A] {strides = array<i32>} : memref<10000xf32, #tpu.memory_space<vmem>>, vector<16xf32>,
        tpu.vector_store %arg17[%swap3A], %div3A_194 {strides = array<i32>} : memref<10000xf32, #tpu.memory_space<vmem>>, vector<16xf32>,
      }
      %scan3A_173 = arith.constant 5 : i32
    }
    %scan3A_37 = arith.constant 31 : i32
    %dma_wait3A = arith.constant 9920 : i32
    %dma_wait3A_38 = tpu.memref_slice %arg7[%dma_wait3A] : memref<10000xi32, #tpu.memory_space<vmem>> -> memref<80xi32, #tpu.memory_space<vmem>>
    %dma_wait3A_39 = arith.constant 0 : i32
    %dma_wait3A_40 = arith.constant 0 : i32
    %dma_wait3A_41 = tpu.memref_slice %arg2[%dma_wait3A_39, %dma_wait3A_40] : memref<10000x128xf32, #tpu.memory_space<hbm>> -> memref<10000x128xf32, #tpu.memory_space<hbm>>
    tpu.wait_indirect_dma semaphore(%arg18 : memref<!tpu.dma_semaphore, #tpu.memory_space<semaphore_mem>>) src(%dma_wait3A_41 : memref<10000x128xf32, #tpu.memory_space<hbm>>) dst(%arg9 : memref<80x128xf32, #tpu.memory_space<vmem>>)
    %dma_wait3A_42 = arith.constant 9920 : i32
    %dma_wait3A_43 = tpu.memref_slice %arg8[%dma_wait3A_42] : memref<10000xi32, #tpu.memory_space<vmem>> -> memref<80xi32, #tpu.memory_space<vmem>>
    %dma_wait3A_44 = arith.constant 0 : i32
    %dma_wait3A_45 = arith.constant 0 : i32
    %dma_wait3A_46 = tpu.memref_slice %arg3[%dma_wait3A_44, %dma_wait3A_45] : memref<10000x128xf32, #tpu.memory_space<hbm>> -> memref<10000x128xf32, #tpu.memory_space<hbm>>
    tpu.wait_indirect_dma semaphore(%arg18 : memref<!tpu.dma_semaphore, #tpu.memory_space<semaphore_mem>>) src(%dma_wait3A_46 : memref<10000x128xf32, #tpu.memory_space<hbm>>) dst(%arg10 : memref<80x128xf32, #tpu.memory_space<vmem>>)
    %scan3A_47 = arith.constant 0 : i32
    %scan3A_48 = arith.constant 0 : i32
    %scan3A_49 = arith.constant 5 : i32
    %scan3A_50 = arith.addi %scan3A_48, %scan3A_49 : i32
    %scan3A_51 = arith.constant 1 : i32
    scf.for %scan3A_53 = %scan3A_48 to %scan3A_50 step %scan3A_51  : i32 {
      %mul3A_54 = arith.constant 16 : i32
      %mul3A_55 = arith.muli %scan3A_53, %mul3A_54 : i32
      %add3A_56 = vector.broadcast %mul3A_55 : i32 to vector<16xi32>
      %add3A_57 = arith.addi %add3A_56, %iota3A : vector<16xi32>
      %scan3A_58 = arith.constant 0 : i32
      %scan3A_59 = arith.constant 32 : i32
      %scan3A_60 = arith.addi %scan3A_58, %scan3A_59 : i32
      %scan3A_61 = arith.constant 1 : i32
      %scan3A_62:4 = scf.for %scan3A_79 = %scan3A_58 to %scan3A_60 step %scan3A_61 iter_args(%scan3A_80 = %broadcast_in_dim3A_3, %scan3A_81 = %broadcast_in_dim3A_3, %scan3A_82 = %broadcast_in_dim3A_3, %scan3A_83 = %broadcast_in_dim3A_3) -> (vector<16xf32>, vector<16xf32>, vector<16xf32>, vector<16xf32>)  : i32 {
        %mul3A_84 = arith.constant 4 : i32
        %mul3A_85 = arith.muli %scan3A_79, %mul3A_84 : i32
        %add3A_86 = vector.broadcast %mul3A_85 : i32 to vector<16xi32>
        %add3A_87 = arith.addi %iota3A, %add3A_86 : vector<16xi32>
        %and3A = arith.constant 127 : i32
        %and3A_88 = vector.broadcast %and3A : i32 to vector<16xi32>
        %and3A_89 = arith.andi %add3A_87, %and3A_88 : vector<16xi32>
        %add3A_90 = arith.constant 1 : i32
        %add3A_91 = arith.addi %mul3A_85, %add3A_90 : i32
        %add3A_92 = vector.broadcast %add3A_91 : i32 to vector<16xi32>
        %add3A_93 = arith.addi %iota3A, %add3A_92 : vector<16xi32>
        %and3A_94 = arith.constant 127 : i32
        %and3A_95 = vector.broadcast %and3A_94 : i32 to vector<16xi32>
        %and3A_96 = arith.andi %add3A_93, %and3A_95 : vector<16xi32>
        %add3A_97 = arith.constant 2 : i32
        %add3A_98 = arith.addi %mul3A_85, %add3A_97 : i32
        %add3A_99 = vector.broadcast %add3A_98 : i32 to vector<16xi32>
        %add3A_100 = arith.addi %iota3A, %add3A_99 : vector<16xi32>
        %and3A_101 = arith.constant 127 : i32
        %and3A_102 = vector.broadcast %and3A_101 : i32 to vector<16xi32>
        %and3A_103 = arith.andi %add3A_100, %and3A_102 : vector<16xi32>
        %add3A_104 = arith.constant 3 : i32
        %add3A_105 = arith.addi %mul3A_85, %add3A_104 : i32
        %add3A_106 = vector.broadcast %add3A_105 : i32 to vector<16xi32>
        %add3A_107 = arith.addi %iota3A, %add3A_106 : vector<16xi32>
        %and3A_108 = arith.constant 127 : i32
        %and3A_109 = vector.broadcast %and3A_108 : i32 to vector<16xi32>
        %and3A_110 = arith.andi %add3A_107, %and3A_109 : vector<16xi32>
        %gather3A = tpu.vector_load_idx %arg9[%add3A_57, %and3A_89] : memref<80x128xf32, #tpu.memory_space<vmem>>[vector<16xi32>, vector<16xi32>], vector<16xf32>,
        %gather3A_111 = tpu.vector_load_idx %arg10[%add3A_57, %and3A_89] : memref<80x128xf32, #tpu.memory_space<vmem>>[vector<16xi32>, vector<16xi32>], vector<16xf32>,
        %mul3A_112 = arith.mulf %gather3A, %gather3A_111 : vector<16xf32>
        %add3A_113 = arith.addf %scan3A_80, %mul3A_112 : vector<16xf32>
        %gather3A_114 = tpu.vector_load_idx %arg9[%add3A_57, %and3A_96] : memref<80x128xf32, #tpu.memory_space<vmem>>[vector<16xi32>, vector<16xi32>], vector<16xf32>,
        %gather3A_115 = tpu.vector_load_idx %arg10[%add3A_57, %and3A_96] : memref<80x128xf32, #tpu.memory_space<vmem>>[vector<16xi32>, vector<16xi32>], vector<16xf32>,
        %mul3A_116 = arith.mulf %gather3A_114, %gather3A_115 : vector<16xf32>
        %add3A_117 = arith.addf %scan3A_81, %mul3A_116 : vector<16xf32>
        %gather3A_118 = tpu.vector_load_idx %arg9[%add3A_57, %and3A_103] : memref<80x128xf32, #tpu.memory_space<vmem>>[vector<16xi32>, vector<16xi32>], vector<16xf32>,
        %gather3A_119 = tpu.vector_load_idx %arg10[%add3A_57, %and3A_103] : memref<80x128xf32, #tpu.memory_space<vmem>>[vector<16xi32>, vector<16xi32>], vector<16xf32>,
        %mul3A_120 = arith.mulf %gather3A_118, %gather3A_119 : vector<16xf32>
        %add3A_121 = arith.addf %scan3A_82, %mul3A_120 : vector<16xf32>
        %gather3A_122 = tpu.vector_load_idx %arg9[%add3A_57, %and3A_110] : memref<80x128xf32, #tpu.memory_space<vmem>>[vector<16xi32>, vector<16xi32>], vector<16xf32>,
        %gather3A_123 = tpu.vector_load_idx %arg10[%add3A_57, %and3A_110] : memref<80x128xf32, #tpu.memory_space<vmem>>[vector<16xi32>, vector<16xi32>], vector<16xf32>,
        %mul3A_124 = arith.mulf %gather3A_122, %gather3A_123 : vector<16xf32>
        %add3A_125 = arith.addf %scan3A_83, %mul3A_124 : vector<16xf32>
        scf.yield %add3A_113, %add3A_117, %add3A_121, %add3A_125 : vector<16xf32>, vector<16xf32>, vector<16xf32>, vector<16xf32>
      }
      %scan3A_63 = arith.constant 32 : i32
      %add3A_64 = arith.addf %scan3A_62#0, %scan3A_62#1 : vector<16xf32>
      %add3A_65 = arith.addf %scan3A_62#2, %scan3A_62#3 : vector<16xf32>
      %add3A_66 = arith.addf %add3A_64, %add3A_65 : vector<16xf32>
      %neg3A = arith.constant 0.000000e+00 : f32
      %neg3A_67 = vector.broadcast %neg3A : f32 to vector<16xf32>
      %neg3A_68 = arith.subf %neg3A_67, %add3A_66 : vector<16xf32>
      %exp3A = math.exp %neg3A_68 : vector<16xf32>
      %add3A_69 = arith.constant 1.000000e+00 : f32
      %add3A_70 = vector.broadcast %add3A_69 : f32 to vector<16xf32>
      %add3A_71 = arith.addf %add3A_70, %exp3A : vector<16xf32>
      %div3A = arith.constant 1.000000e+00 : f32
      %div3A_72 = vector.broadcast %div3A : f32 to vector<16xf32>
      %div3A_73 = arith.divf %div3A_72, %add3A_71 : vector<16xf32>
      %mul3A_74 = arith.constant 16 : i32
      %mul3A_75 = arith.muli %scan3A_53, %mul3A_74 : i32
      %add3A_76 = arith.constant 9920 : i32
      %add3A_77 = arith.addi %add3A_76, %mul3A_75 : i32
      %swap3A = arith.index_cast %add3A_77 : i32 to index
      %swap3A_78 = tpu.vector_load %arg17[%swap3A] {strides = array<i32>} : memref<10000xf32, #tpu.memory_space<vmem>>, vector<16xf32>,
      tpu.vector_store %arg17[%swap3A], %div3A_73 {strides = array<i32>} : memref<10000xf32, #tpu.memory_space<vmem>>, vector<16xf32>,
    }
    %scan3A_52 = arith.constant 5 : i32
    "tpu.region"() ({
      %run_scoped3A = tpu.sem_alloc : memref<!tpu.dma_semaphore, #tpu.memory_space<semaphore_mem>>
      %dma_start3A_53 = tpu.memref_slice %arg6[%mul3A_2] : memref<320000xf32, #tpu.memory_space<hbm>> -> memref<10000xf32, #tpu.memory_space<hbm>>
      %dma_start3A_54 = tpu.memref_slice %arg6[%mul3A_2] : memref<320000xf32, #tpu.memory_space<hbm>> -> memref<10000xf32, #tpu.memory_space<hbm>>
      tpu.enqueue_dma source(%arg17 : memref<10000xf32, #tpu.memory_space<vmem>>) target(%dma_start3A_54 : memref<10000xf32, #tpu.memory_space<hbm>>) target_semaphore(%run_scoped3A : memref<!tpu.dma_semaphore, #tpu.memory_space<semaphore_mem>>)
      %dma_wait3A_55 = tpu.memref_slice %arg6[%mul3A_2] : memref<320000xf32, #tpu.memory_space<hbm>> -> memref<10000xf32, #tpu.memory_space<hbm>>
      %dma_wait3A_56 = tpu.memref_slice %arg6[%mul3A_2] : memref<320000xf32, #tpu.memory_space<hbm>> -> memref<10000xf32, #tpu.memory_space<hbm>>
      tpu.wait_dma2 semaphore(%run_scoped3A : memref<!tpu.dma_semaphore, #tpu.memory_space<semaphore_mem>>) src(%arg17 : memref<10000xf32, #tpu.memory_space<vmem>>) dst(%dma_wait3A_56 : memref<10000xf32, #tpu.memory_space<hbm>>)
      tpu.yield
    }) : () -> ()
    return
  }
}

</mosaic_0001>

<sc_bundles>
// kernel: _build_and_run.3.cloned.1.call-start
scs
__scs_entry_jumppad:
0x0: {  	(pc) =	sbr.rel $0x88, $3  }
0x1: {  	(tag) =	ssettag $0x0;
	lr =	simm.s32 $0x1  }
0x2: {  	[smem:$0x3F9E] =	sst lr;
	_ =	strace $0xD0000000  }
0x3: {  	_ = 	snop  }
0x4: {  	_ = 	snop  }
0x5: {  	_ = 	snop  }
0x6: {  	_ = 	snop  }
0x7: {  	_ = 	snop  }
__scs_overlays_trampoline_lowered:
0x8: {  	[smem:$0x3FAD] =	sst s0  }
0x9: {  	[smem:$0x3FAE] =	sst s1  }
0xa: {  	[smem:$0x3FAF] =	sst s2  }
0xb: {  	[smem:$0x3FB0] =	sst s3  }
0xc: {  	[smem:$0x3FB1] =	sst s4  }
0xd: {  	[smem:$0x3FB2] =	sst s5  }
0xe: {  	[smem:$0x3FB3] =	sst s6  }
0xf: {  	[smem:$0x3FB4] =	sst s7  }
0x10: {  	[smem:$0x3FB5] =	sst s8  }
0x11: {  	[smem:$0x3FB6] =	sst s9;
	s0 =	simm.s32 @!p0 $0x0  }
0x12: {  	s1 =	sld [smem:$0x3F9C];
	s0 =	simm.s32 @p0 $0x1  }
0x13: {  	[smem:$0x3FB7] =	sst s0;
	s0 =	simm.s32 @!p1 $0x0  }
0x14: {  	s2 =	sld [smem:$0x3F9B];
	s0 =	simm.s32 @p1 $0x1  }
0x15: {  	[smem:$0x3FB8] =	sst s0;
	s0 =	simm.s32 @!p2 $0x0  }
0x16: {  	s3 =	sld [smem:$0x3FDB];
	s0 =	simm.s32 @p2 $0x1  }
0x17: {  	s4 =	simm.s32 $0x1BF5;
	[smem:$0x3FBA] =	sst s0  }
0x18: {  	s0 =	sld [smem:$0x3F9D];
	_ =	swait.ge [sflag:s4], $0x0  }
0x19: {  	s7 =	sld [smem:$0x3F9E]  }
0x1a: {  	s8 =	sadd.s32 $0xFFFFE003, lr  }
0x1b: {  	s9 =	sadd.s32 $0xFFFFFEF7, lr;
	s5 =	simm.s32 $0xFFFFFFFF;
	p2 =	slt.u32 s8, $0xFFFFF086  }
0x1c: {  	p1 =	slt.u32 s9, $0xF7A;
	s5 =	simm.s32 @!p2 $0x0  }
0x1d: {  	s5 =	simm.s32 @p1 $0x1;
	p0 =	seq.s32 s7, s2  }
0x1e: {  	s7 =	smul.u32 @!p0 $0xF7A, s2;
	p2 =	seq.s32 @!p0 s5, $0x0  }
0x1f: {  	s9 =	smul.u32 $0xF7A, s1;
	s8 =	simm.s32 @!p0 $0x1BF5;
	p2 =	por !p2, p0  }
0x20: {  	[sflag:s8] =	ssyncset.s32 @!p0 $0xFFFFF086;
	s6 =	sadd.s32 @!p0 s3, s7;
	s7 =	simm.s32 @!p0 $0x108  }
0x21: {  	s3 =	sadd.s32 s3, s9;
	s6 =	sadd.s32 @!p0 $0x88, s6;
	s7 =	simm.s32 @p2 $0x1082  }
0x22: {  	[simem:s7], [sflag:s8] =	dma.local @!p0 [hbm:s6], $0xF7A  }
0x23: {  	s9 =	sor.u32 $0xD0000000, s2;
	s6 =	simm.s32 $0x108;
	_ =	swait.ge @!p0 [sflag:s8], $0x0  }
0x24: {  	s3 =	sadd.s32 $0x88, s3;
	s6 =	simm.s32 @!p1 $0x1082;
	[sflag:s4] =	ssyncset.s32 $0xFFFFF086  }
0x25: {  	[simem:s6], [sflag:s4] =	dma.local [hbm:s3], $0xF7A  }
0x26: {  	[smem:$0x3F9E] =	sst s1;
	(tag) =	ssettag s2;
	_ =	strace s9  }
0x27: {  	s1 =	sld [smem:$0x3FAE]  }
0x28: {  	s2 =	sld [smem:$0x3FAF]  }
0x29: {  	s4 =	sld [smem:$0x3FB1]  }
0x2a: {  	p0 =	seq.s32 s5, $0x0;
	s5 =	sld [smem:$0x3FB2]  }
0x2b: {  	s6 =	sld [smem:$0x3FB3]  }
0x2c: {  	s7 =	sld [smem:$0x3FB4]  }
0x2d: {  	s3 =	simm.s32 $0x108;
	s8 =	sld [smem:$0x3FB5]  }
0x2e: {  	s3 =	simm.s32 @!p0 $0x1082;
	s9 =	sld [smem:$0x3FB6]  }
0x2f: {  	lr =	sadd.s32 s0, s3;
	s0 =	sld [smem:$0x3FAD]  }
0x30: {  	s3 =	sld [smem:$0x3FB0]  }
0x31: {  	[smem:$0x3FB9] =	sst s10  }
0x32: {  	s10 =	sld [smem:$0x3FB7];
	_ =	sdelay $0x3  }
0x33: {  	p0 =	seq.s32 s10, $0x1;
	s10 =	sld [smem:$0x3FB9];
	_ =	sdelay $0x3  }
0x34: {  	[smem:$0x3FB9] =	sst s10  }
0x35: {  	s10 =	sld [smem:$0x3FB8];
	_ =	sdelay $0x3  }
0x36: {  	p1 =	seq.s32 s10, $0x1;
	s10 =	sld [smem:$0x3FB9];
	_ =	sdelay $0x3  }
0x37: {  	[smem:$0x3FB9] =	sst s10  }
0x38: {  	s10 =	sld [smem:$0x3FBA]  }
0x39: {  	_ = 	snop;
	(pc) =	sbr.ind lr, $3  }
0x3a: {  	_ = 	snop  }
0x3b: {  	_ = 	snop  }
0x3c: {  	p2 =	seq.s32 s10, $0x1;
	s10 =	sld [smem:$0x3FB9]  }
0x3d: {  	_ =	shalt  }
0x3e: {  	_ =	shalt  }
0x3f: {  	_ =	shalt  }
0x40: {  	_ =	shalt  }
0x41: {  	_ =	shalt  }
0x42: {  	_ =	shalt  }
0x43: {  	_ =	shalt  }
0x44: {  	_ =	shalt  }
0x45: {  	_ =	shalt  }
0x46: {  	_ =	shalt  }
0x47: {  	_ =	shalt  }
0x48: {  	_ =	shalt  }
0x49: {  	_ =	shalt  }
0x4a: {  	_ =	shalt  }
0x4b: {  	_ =	shalt  }
0x4c: {  	_ =	shalt  }
0x4d: {  	_ =	shalt  }
0x4e: {  	_ =	shalt  }
0x4f: {  	_ =	shalt  }
0x50: {  	_ =	shalt  }
0x51: {  	_ =	shalt  }
0x52: {  	_ =	shalt  }
0x53: {  	_ =	shalt  }
0x54: {  	_ =	shalt  }
0x55: {  	_ =	shalt  }
0x56: {  	_ =	shalt  }
0x57: {  	_ =	shalt  }
0x58: {  	_ =	shalt  }
0x59: {  	_ =	shalt  }
0x5a: {  	_ =	shalt  }
0x5b: {  	_ =	shalt  }
0x5c: {  	_ =	shalt  }
0x5d: {  	_ =	shalt  }
0x5e: {  	_ =	shalt  }
0x5f: {  	_ =	shalt  }
0x60: {  	_ =	shalt  }
0x61: {  	_ =	shalt  }
0x62: {  	_ =	shalt  }
0x63: {  	_ =	shalt  }
0x64: {  	_ =	shalt  }
0x65: {  	_ =	shalt  }
0x66: {  	_ =	shalt  }
0x67: {  	_ =	shalt  }
0x68: {  	_ =	shalt  }
0x69: {  	_ =	shalt  }
0x6a: {  	_ =	shalt  }
0x6b: {  	_ =	shalt  }
0x6c: {  	_ =	shalt  }
0x6d: {  	_ =	shalt  }
0x6e: {  	_ =	shalt  }
0x6f: {  	_ =	shalt  }
0x70: {  	_ =	shalt  }
0x71: {  	_ =	shalt  }
0x72: {  	_ =	shalt  }
0x73: {  	_ =	shalt  }
0x74: {  	_ =	shalt  }
0x75: {  	_ =	shalt  }
0x76: {  	_ =	shalt  }
0x77: {  	_ =	shalt  }
0x78: {  	_ =	shalt  }
0x79: {  	_ =	shalt  }
0x7a: {  	_ =	shalt  }
0x7b: {  	_ =	shalt  }
0x7c: {  	_ =	shalt  }
0x7d: {  	_ =	shalt  }
0x7e: {  	_ =	shalt  }
0x7f: {  	_ =	shalt  }
0x80: {  	_ =	shalt  }
0x81: {  	_ =	shalt  }
0x82: {  	_ =	shalt  }
0x83: {  	_ =	shalt  }
0x84: {  	_ =	shalt  }
0x85: {  	_ =	shalt  }
0x86: {  	_ =	shalt  }
0x87: {  	_ =	shalt  }
.Lfunc_end0:
.L_simem_size_0:
called_computation_lowered:
.L_overlay_start_0:
0x88: {  	s2 =	sld [smem:$0x3FD9]  }
0x89: {  	s3 =	sld [smem:$0x3FFE];
	_ =	sdelay $0x1  }
0x8a: {  	s1 =	srdreg.scid  }
0x8b: {  	s0 =	sand.u32 $0x1, s1  }
0x8c: {  	s17 =	sshll.u32 s0, $0xA;
	s2 =	sadd.s32 s3, s2  }
0x8d: {  	s2 =	sadd.s32 s2, s17  }
0x8e: {  	[smem:$0x3FC5] =	sst s2  }
0x8f: {  	_ = 	snop  }
0x90: {  	s2 =	sld [smem:$0x3FC9]  }
0x91: {  	s18 =	sld [smem:$0x3FC8]  }
0x92: {  	s4 =	sld [smem:$0x3FD0];
	(tm) =	ssettm $0x1  }
0x93: {  	s5 =	sld [smem:$0x3FFB];
	_ =	sdelay $0x3  }
0x94: {  	_ =	strace s5  }
0x95: {  	s5 =	sld [smem:$0x3FFC];
	_ =	sdelay $0x3  }
0x96: {  	_ =	strace s5  }
0x97: {  	s5 =	sld [smem:$0x3FFD];
	_ =	sdelay $0x3  }
0x98: {  	_ =	strace s5  }
0x99: {  	_ =	strace $0x8FFFFFFF  }
0x9a: {  	s19 =	sld [smem:$0x3FDB];
	_ =	sdelay $0x1  }
0x9b: {  	s6 =	simm.s32 $_scs_section_size  }
0x9c: {  	s7 =	simm.s32 $_size__tile_overlayer_lowered;
	s8 =	simm.s32 $_tile_overlayer_lowered  }
0x9d: {  	s22 =	simm.s32 $0x1BFF;
	s21 =	sshll.u32 s8, $0x1;
	s5 =	sadd.s32 s6, s19  }
0x9e: {  	s9 =	simm.s32 $0x0;
	s20 =	sshll.u32 s7, $0x1;
	s7 =	sadd.s32 s21, s5  }
0x9f: {  	[timem:s9], [sflag:s22] =	dma.local [hbm:s7], s20  }
0xa0: {  	_ =	swait.ge [sflag:s22], s20  }
0xa1: {  	s6 =	ssub.s32 $0x0, s20;
	[sflag:s22] =	ssyncset.done $0x0  }
0xa2: {  	[sflag:s22] =	ssyncadd.s32 s6;
	_ =	sdelay $0x1  }
0xa3: {  	s23 =	simm.s32 $0x1B8B  }
0xa4: {  	_ =	swait.ge [sflag:s23], $0x1  }
0xa5: {  	[sflag:s23] =	ssyncset.done $0x0  }
0xa6: {  	s25 =	simm.s32 $0x1B8E;
	s24 =	sld [smem:$0x3FFE];
	[sflag:s23] =	ssyncadd.s32 $0xFFFFFFFF  }
0xa7: {  	s26 =	simm.s32 $execute0_lowered;
	[smem:$0x3FD2] =	sst s25  }
0xa8: {  	s7 =	sshll.u32 s26, $0x1;
	_ =	strace $0x80000046;
	[dreg:$0x1] =	wrdreg $0xFFFFFFFF  }
0xa9: {  	s28 =	simm.s32 $_size_execute0_lowered;
	s5 =	sadd.s32 s5, s7;
	[dreg:$0x0] =	wrdreg $0x0  }
0xaa: {  	s7 =	sshll.u32 s28, $0x1;
	[dreg:$0x2] =	wrdreg s5  }
0xab: {  	[dreg:$0x3] =	wrdreg s7  }
0xac: {  	[dreg:$0x4] =	wrdreg $0xC0  }
0xad: {  	_ =	task [dreg:s9], $0x5FFFF  }
0xae: {  	[dreg:$0x1] =	wrdreg $0xFFFFFFFF  }
0xaf: {  	[dreg:$0x0] =	wrdreg $0x60  }
0xb0: {  	[dreg:$0x2] =	wrdreg s2  }
0xb1: {  	[dreg:$0x3] =	wrdreg s18  }
0xb2: {  	[dreg:$0x4] =	wrdreg s24  }
0xb3: {  	[dreg:$0x5] =	wrdreg s4  }
0xb4: {  	[dreg:$0x6] =	wrdreg $0x9  }
0xb5: {  	_ =	task.clear_ibuf [dreg:s9], $0x7FFFF;
	_ =	strace $0x90000046  }
0xb6: {  	s29 =	simm.s32 $0x9;
	_ =	strace $0x80000048  }
0xb7: {  	_ =	swait.ge [sflag:s29], $0x1  }
0xb8: {  	[sflag:s29] =	ssyncadd.s32 $0xFFFFFFFF  }
0xb9: {  	_ =	strace $0x90000048  }
0xba: {  	_ =	sfence  }
0xbb: {  	s30 =	sld [smem:$0x0];
	_ =	sdelay $0x2  }
0xbc: {  	s31 =	sshll.u32 s1, $0xD;
	s1 =	sshrl.u32 s1, $0x2  }
0xbd: {  	s3 =	sand.u32 $0x4000, s31;
	s1 =	sadd.s32 s1, s30  }
0xbe: {  	s0 =	sor.u32 s3, s0;
	s1 =	sshll.u32 s1, $0x11  }
0xbf: {  	s0 =	sor.u32 s1, s0  }
0xc0: {  	s0 =	sadd.s32 $0x8F2B, s0  }
0xc1: {  	[sflag:s0] =	ssyncadd.remote.s32 $0x1  }
0xc2: {  	_ =	sfence.sel $0xFFFF  }
0xc3: {  	[dreg:$0x0] =	wrdreg $0xFFFFFFFF;
	(pc) =	sbr.abs _section_cstart, $3  }
0xc4: {  	[dreg:$0x1] =	wrdreg $0xFFFFFFFF  }
0xc5: {  	_ =	task.clear_ibuf [dreg:s9], $0x2FFFF;
	_ =	strace $0x9FFFFFFF  }
0xc6: {  	(tm) =	ssettm $0x7FFFFFFF  }
0xc7: {  	_ =	shalt  }
tec
execute0_lowered:
.L_overlay_start_1:
0x0: {  	(tag) =	ssettag $0x1  }
0x1: {  	s1 =	rddreg [dreg:$0x0]  }
0x2: {  	s2 =	rddreg [dreg:$0x1];
	s0 =	srdreg.scid  }
0x3: {  	s4 =	stileid.u32;
	s3 =	rddreg [dreg:$0x2]  }
0x4: {  	s7 =	rddreg [dreg:$0x3];
	s9 =	simm.s32 $0x5;
	s11 =	simm.s32 $0x50  }
0x5: {  	s12 =	simm.s32 $0x4F00;
	s13 =	simm.s32 $0x7700;
	s14 =	simm.s32 $0x9F00  }
0x6: {  	s16 =	simm.s32 $0xC700;
	s18 =	simm.s32 $0xEF00;
	s20 =	simm.s32 $0x11700  }
0x7: {  	s21 =	simm.s32 $0x1;
	s22 =	simm.s32 $0x13F00;
	s23 =	simm.s32 $0x16700  }
0x8: {  	s24 =	simm.s32 $0x2;
	s0 =	sand.u32 $0x1, s0;
	s4 =	sshll.u32 s4, $0x1  }
0x9: {  	s25 =	simm.s32 $0x3;
	s26 =	simm.s32 $0x4;
	s5 =	sor.u32 s0, s4  }
0xa: {  	s4 =	simm.s32 $0x0;
	s0 =	ssub.s32 $0x2, s0;
	s8 =	smul.u32 $0x4E2, s5  }
0xb: {  	s29 =	simm.s32 $0x0;
	[smem:$0x7FF] =	sst s4;
	s6 =	sshrl.u32 s0, $0x1  }
0xc: {  	v0 =	vlaneseq.u32;
	_ =	strace $0x80000047;
	s0 =	ssub.s32 s0, s6;
	s5 =	sadd.s32 s3, s8  }
0xd: {  	v1 =	vmul.u32 $0x80, v0;
	s7 =	sadd.s32 s7, s8;
	s8 =	smax.u32 s0, $0x1;
	s6 =	sadd.s32 $0x9E00, s5  }
.LBB2_1:
0xe: {  	[tilespmem:s4], [sflag:$0x5] =	stream.linear.gather [hbm4b:s6+s4], $0x2710, $0x38;
	[tilespmem:$0x1B680] =	vst v63  }
0xf: {  	_ =	swait.ge [sflag:s9], $0x2710  }
0x10: {  	[sflag:s9] =	ssyncset.done $0x0  }
0x11: {  	s0 =	simm.s32 $0x2780;
	[sflag:s9] =	ssyncadd.s32 $0xFFFFD8F0  }
0x12: {  	[tilespmem:s0], [sflag:$0x5] =	stream.linear.gather [hbm4b:s5+s4], $0x2710, $0x38;
	[tilespmem:$0x1B680] =	vst v63  }
0x13: {  	_ =	swait.ge [sflag:s9], $0x2710  }
0x14: {  	[sflag:s9] =	ssyncset.done $0x0  }
0x15: {  	[sflag:s9] =	ssyncadd.s32 $0xFFFFD8F0  }
0x16: {  	[tilespmem:s12], [sflag:$0x1] =	stream.indirect.gather [hbm4b:s1+s11], $0x80, s4, s11, $0xb8;
	[tilespmem:$0x1B680] =	vst v63  }
0x17: {  	_ = 	snop  }
0x18: {  	[tilespmem:s13], [sflag:$0x1] =	stream.indirect.gather [hbm4b:s2+s11], $0x80, s0, s11, $0xb8;
	[tilespmem:$0x1B680] =	vst v63  }
0x19: {  	_ = 	snop  }
0x1a: {  	[tilespmem:s14], [sflag:$0x2] =	stream.indirect.gather [hbm4b:s1+s11], $0x80, s11, s11, $0xb8;
	[tilespmem:$0x1B680] =	vst v63  }
0x1b: {  	s19 =	simm.s32 $0x27D0  }
0x1c: {  	[tilespmem:s16], [sflag:$0x2] =	stream.indirect.gather [hbm4b:s2+s11], $0x80, s19, s11, $0xb8;
	[tilespmem:$0x1B680] =	vst v63  }
0x1d: {  	s28 =	simm.s32 $0xA0  }
0x1e: {  	[tilespmem:s18], [sflag:$0x3] =	stream.indirect.gather [hbm4b:s1+s11], $0x80, s28, s11, $0xb8;
	[tilespmem:$0x1B680] =	vst v63  }
0x1f: {  	s31 =	simm.s32 $0x2820;
	s30 =	simm.s32 $0x0  }
0x20: {  	[tilespmem:s20], [sflag:$0x3] =	stream.indirect.gather [hbm4b:s2+s11], $0x80, s31, s11, $0xb8;
	[tilespmem:$0x1B680] =	vst v63  }
.LBB2_2:
0x21: {  	_ =	swait.ge [sflag:s21], $0x2800  }
0x22: {  	[sflag:s21] =	ssyncset.done $0x0  }
0x23: {  	[sflag:s21] =	ssyncadd.s32 $0xFFFFD800  }
0x24: {  	s31 =	sshllo.u32 s30, $0x2;
	_ =	swait.ge [sflag:s21], $0x2800  }
0x25: {  	s0 =	smul.u32 $0x50, s31;
	[sflag:s21] =	ssyncset.done $0x0  }
0x26: {  	[sflag:s21] =	ssyncadd.s32 $0xFFFFD800  }
0x27: {  	[tilespmem:s22], [sflag:$0x4] =	stream.indirect.gather [hbm4b:s1+s11], $0x80, s0, s11, $0xb8;
	[tilespmem:$0x1B680] =	vst v63  }
0x28: {  	s3 =	smul.u32 $0x500, s30;
	s0 =	sadd.s32 $0x2780, s0  }
0x29: {  	[tilespmem:s23], [sflag:$0x4] =	stream.indirect.gather [hbm4b:s2+s11], $0x80, s0, s11, $0xb8;
	[tilespmem:$0x1B680] =	vst v63  }
0x2a: {  	s0 =	sshra.s32 s3, $0x2  }
0x2b: {  	s15 =	sadd.s32 $0x18F00, s0  }
0x2c: {  	s3 =	simm.s32 $0x0;
	v2 =	vmov s15;
	s15 =	simm.s32 $0x0  }
.LBB2_3:
0x2d: {  	s17 =	sshll.u32 s15, $0x4  }
0x2e: {  	v3 =	vmov s17  }
0x2f: {  	v4 =	vadd.s32 s3, v0;
	v3 =	vshll.u32 v3, $0x7  }
0x30: {  	s19 =	simm.s32 $0x3;
	v4 =	vand.u32 $0x7F, v4;
	v3 =	vor.u32 v1, v3  }
0x31: {  	v5 =	vadd.s32 s19, v0;
	v4 =	vor.u32 v3, v4  }
0x32: {  	s10 =	simm.s32 $0x2;
	v5 =	vand.u32 $0x7F, v5  }
0x33: {  	v6 =	vadd.s32 s10, v0;
	v5 =	vor.u32 v3, v5  }
0x34: {  	s28 =	simm.s32 $0x1;
	v6 =	vand.u32 $0x7F, v6  }
0x35: {  	v7 =	vor.u32 v3, v6;
	v6 =	vadd.s32 s28, v0  }
0x36: {  	s10 =	simm.s32 $0x4;
	v6 =	vand.u32 $0x7F, v6;
	v13 =	vld.idx.msk [tilespmem:v4+s12+$0x0], $0xffff  }
0x37: {  	v10 =	vadd.s32 s10, v0;
	v9 =	vor.u32 v3, v6;
	v4 =	vld.idx.msk [tilespmem:v4+s13+$0x0], $0xffff  }
0x38: {  	v12 =	vand.u32 $0x7F, v10;
	s28 =	simm.s32 $0x7;
	v6 =	vld.idx.msk [tilespmem:v5+s12+$0x0], $0xffff  }
0x39: {  	s10 =	simm.s32 $0x6;
	v17 =	vor.u32 v3, v12;
	v11 =	vadd.s32 s28, v0;
	v8 =	vld.idx.msk [tilespmem:v5+s13+$0x0], $0xffff  }
0x3a: {  	v14 =	vadd.s32 s10, v0;
	v11 =	vand.u32 $0x7F, v11;
	v10 =	vld.idx.msk [tilespmem:v7+s12+$0x0], $0xffff  }
0x3b: {  	v12 =	vand.u32 $0x7F, v14;
	s28 =	simm.s32 $0x5;
	v16 =	vor.u32 v3, v11;
	v7 =	vld.idx.msk [tilespmem:v7+s13+$0x0], $0xffff  }
0x3c: {  	v15 =	vor.u32 v3, v12;
	v12 =	vimm.f32 $0.0e+00;
	v19 =	vadd.s32 s28, v0;
	v14 =	vld.idx.msk [tilespmem:v9+s12+$0x0], $0xffff  }
0x3d: {  	s19 =	simm.s32 $0x8;
	v11 =	vimm.f32 $0.0e+00;
	v5 =	vimm.f32 $0.0e+00;
	v18 =	vld.idx.msk [tilespmem:v9+s13+$0x0], $0xffff;
	v9 =	vimm.f32 $0.0e+00  }
.LBB2_4:
0x3e: {  	p0 =	sne.s32 s19, $0x7C;
	v25 =	vand.u32 $0x7F, v19;
	v20 =	vld.idx.msk [tilespmem:v17+s12+$0x0], $0xffff;
	v21 =	vmov v4;
	v22 =	vmov v6  }
0x3f: {  	v6 =	vadd.s32 s19, v0;
	s28 =	sadd.s32 $0x3, s19;
	v19 =	vmov v8;
	v4 =	vld.idx.msk [tilespmem:v17+s13+$0x0], $0xffff;
	v23 =	vor.u32 v3, v25  }
0x40: {  	v8 =	vand.u32 $0x7F, v6;
	v17 =	vadd.s32 s28, v0;
	v24 =	vmov v10;
	v6 =	vld.idx.msk [tilespmem:v16+s12+$0x0], $0xffff  }
.Ltmp0:
0x41: {  	s28 =	sadd.s32 $0x2, s19;
	v13 =	vmul.f32 v21, v13;
	v10 =	vand.u32 $0x7F, v17;
	v17 =	vor.u32 v3, v8;
	v8 =	vld.idx.msk [tilespmem:v16+s13+$0x0], $0xffff;
	(pc) =	sbr.rel @p0 .LBB2_4-.Ltmp0, $4  }
0x42: {  	v19 =	vmul.f32 v19, v22;
	v21 =	vadd.s32 s28, v0;
	v16 =	vor.u32 v3, v10;
	v10 =	vld.idx.msk [tilespmem:v15+s12+$0x0], $0xffff  }
0x43: {  	v24 =	vmul.f32 v7, v24;
	v21 =	vand.u32 $0x7F, v21;
	v22 =	vmul.f32 v18, v14;
	v7 =	vld.idx.msk [tilespmem:v15+s13+$0x0], $0xffff  }
0x44: {  	s28 =	sadd.s32 $0x1, s19;
	v5 =	vadd.f32 v13, v5;
	v11 =	vadd.f32 v19, v11;
	v15 =	vor.u32 v3, v21;
	v14 =	vld.idx.msk [tilespmem:v23+s12+$0x0], $0xffff  }
0x45: {  	s19 =	sadd.s32 $0x4, s19;
	v19 =	vadd.s32 s28, v0;
	v9 =	vadd.f32 v24, v9;
	v13 =	vmovc v20;
	v12 =	vadd.f32 v22, v12;
	v18 =	vld.idx.msk [tilespmem:v23+s13+$0x0], $0xffff  }
0x46: {  	_ =	sdelay $0x3  }
0x47: {  	v19 =	vand.u32 $0x7F, v19;
	v20 =	vld.idx.msk [tilespmem:v17+s12+$0x0], $0xffff  }
0x48: {  	v52 =	vld.idx.msk [tilespmem:v17+s13+$0x0], $0xffff;
	v3 =	vor.u32 v3, v19  }
0x49: {  	v53 =	vld.idx.msk [tilespmem:v16+s12+$0x0], $0xffff  }
0x4a: {  	v54 =	vld.idx.msk [tilespmem:v16+s13+$0x0], $0xffff  }
0x4b: {  	v21 =	vld.idx.msk [tilespmem:v15+s12+$0x0], $0xffff  }
0x4c: {  	v55 =	vld.idx.msk [tilespmem:v15+s13+$0x0], $0xffff  }
0x4d: {  	v22 =	vld.idx.msk [tilespmem:v3+s12+$0x0], $0xffff  }
0x4e: {  	v3 =	vld.idx.msk [tilespmem:v3+s13+$0x0], $0xffff  }
0x4f: {  	v4 =	vmul.f32 v4, v13;
	v6 =	vmul.f32 v8, v6  }
0x50: {  	v7 =	vmul.f32 v7, v10  }
0x51: {  	v4 =	vadd.f32 v4, v5;
	v57 =	vadd.f32 v6, v11;
	v56 =	vmul.f32 v18, v14  }
0x52: {  	v7 =	vadd.f32 v7, v9;
	v59 =	vmul.f32 v52, v20;
	v60 =	vmul.f32 v54, v53  }
0x53: {  	v61 =	vmul.f32 v55, v21;
	v58 =	vadd.f32 v56, v12;
	v3 =	vmul.f32 v3, v22  }
0x54: {  	v4 =	vadd.f32 v59, v4;
	v5 =	vadd.f32 v60, v57  }
0x55: {  	v62 =	vadd.f32 v61, v7;
	v3 =	vadd.f32 v3, v58;
	_ =	sdelay $0x1  }
0x56: {  	v63 =	vadd.f32 v5, v62;
	v3 =	vadd.f32 v3, v4;
	_ =	sdelay $0x1  }
0x57: {  	v3 =	vadd.f32 v63, v3;
	_ =	sdelay $0x1  }
0x58: {  	v3 =	vsub.f32 $0.0e+00, v3;
	_ =	sdelay $0x1  }
0x59: {  	v3 =	vmul.f32 $1.442695020e+00, v3;
	_ =	sdelay $0x1  }
0x5a: {  	(erf) = vpow2.f32 v3;
	_ =	sdelay $0x8  }
0x5b: {  	v3 =	vpop (erf)  }
0x5c: {  	v3 =	vadd.f32 $1.000000000e+00, v3;
	_ =	sdelay $0x1  }
0x5d: {  	(erf) = vrcp.f32 v3;
	_ =	sdelay $0x3  }
0x5e: {  	s15 =	sadd.s32 $0x1, s15  }
0x5f: {  	p0 =	sne.s32 s15, $0x5  }
.Ltmp1:
0x60: {  	_ = 	snop;
	(pc) =	sbr.rel @p0 .LBB2_3-.Ltmp1, $3  }
0x61: {  	_ =	sdelay $0x1  }
0x62: {  	v3 =	vpop (erf)  }
0x63: {  	[tilespmem:v2+s17+$0x0 ss:$0x1] =	vst.idx.msk $0xffff, v3  }
0x64: {  	_ =	swait.ge [sflag:s24], $0x2800  }
0x65: {  	[sflag:s24] =	ssyncset.done $0x0  }
0x66: {  	[sflag:s24] =	ssyncadd.s32 $0xFFFFD800  }
0x67: {  	s3 =	smul.u32 $0x140, s30;
	_ =	swait.ge [sflag:s24], $0x2800  }
0x68: {  	[sflag:s24] =	ssyncset.done $0x0  }
0x69: {  	s17 =	sadd.s32 $0x18F50, s0;
	s15 =	sadd.s32 $0x140, s3;
	[sflag:s24] =	ssyncadd.s32 $0xFFFFD800  }
0x6a: {  	[tilespmem:s12], [sflag:$0x1] =	stream.indirect.gather [hbm4b:s1+s11], $0x80, s15, s11, $0xb8;
	[tilespmem:$0x1B680] =	vst v63  }
0x6b: {  	v2 =	vmov s17;
	s17 =	simm.s32 $0x0;
	s28 =	sadd.s32 $0x28C0, s3;
	s15 =	simm.s32 $0x0  }
0x6c: {  	[tilespmem:s13], [sflag:$0x1] =	stream.indirect.gather [hbm4b:s2+s11], $0x80, s28, s11, $0xb8;
	[tilespmem:$0x1B680] =	vst v63  }
.LBB2_7:
0x6d: {  	s19 =	sshll.u32 s17, $0x4  }
0x6e: {  	v3 =	vmov s19  }
0x6f: {  	v4 =	vadd.s32 s15, v0;
	v3 =	vshll.u32 v3, $0x7  }
0x70: {  	s28 =	simm.s32 $0x3;
	v4 =	vand.u32 $0x7F, v4;
	v3 =	vor.u32 v1, v3  }
0x71: {  	v5 =	vadd.s32 s28, v0;
	v4 =	vor.u32 v3, v4  }
0x72: {  	s28 =	simm.s32 $0x2;
	v5 =	vand.u32 $0x7F, v5  }
0x73: {  	v6 =	vadd.s32 s28, v0;
	v5 =	vor.u32 v3, v5  }
0x74: {  	s28 =	simm.s32 $0x1;
	v6 =	vand.u32 $0x7F, v6  }
0x75: {  	v7 =	vor.u32 v3, v6;
	v6 =	vadd.s32 s28, v0  }
0x76: {  	s28 =	simm.s32 $0x4;
	v6 =	vand.u32 $0x7F, v6;
	v13 =	vld.idx.msk [tilespmem:v4+s14+$0x0], $0xffff  }
0x77: {  	v10 =	vadd.s32 s28, v0;
	v9 =	vor.u32 v3, v6;
	v4 =	vld.idx.msk [tilespmem:v4+s16+$0x0], $0xffff  }
0x78: {  	s10 =	simm.s32 $0x7;
	v12 =	vand.u32 $0x7F, v10;
	v6 =	vld.idx.msk [tilespmem:v5+s14+$0x0], $0xffff  }
0x79: {  	v11 =	vadd.s32 s10, v0;
	s10 =	simm.s32 $0x6;
	v17 =	vor.u32 v3, v12;
	v8 =	vld.idx.msk [tilespmem:v5+s16+$0x0], $0xffff  }
0x7a: {  	v14 =	vadd.s32 s10, v0;
	v11 =	vand.u32 $0x7F, v11;
	v10 =	vld.idx.msk [tilespmem:v7+s14+$0x0], $0xffff  }
0x7b: {  	s10 =	simm.s32 $0x5;
	v16 =	vor.u32 v3, v11;
	v12 =	vand.u32 $0x7F, v14;
	v7 =	vld.idx.msk [tilespmem:v7+s16+$0x0], $0xffff  }
0x7c: {  	v19 =	vadd.s32 s10, v0;
	v11 =	vimm.f32 $0.0e+00;
	v15 =	vor.u32 v3, v12;
	v14 =	vld.idx.msk [tilespmem:v9+s14+$0x0], $0xffff  }
0x7d: {  	s28 =	simm.s32 $0x8;
	v12 =	vimm.f32 $0.0e+00;
	v5 =	vimm.f32 $0.0e+00;
	v18 =	vld.idx.msk [tilespmem:v9+s16+$0x0], $0xffff;
	v9 =	vimm.f32 $0.0e+00  }
.LBB2_8:
0x7e: {  	p0 =	sne.s32 s28, $0x7C;
	v25 =	vand.u32 $0x7F, v19;
	v20 =	vld.idx.msk [tilespmem:v17+s14+$0x0], $0xffff;
	v21 =	vmov v4;
	v22 =	vmov v6  }
0x7f: {  	v6 =	vadd.s32 s28, v0;
	s10 =	sadd.s32 $0x3, s28;
	v19 =	vmov v8;
	v4 =	vld.idx.msk [tilespmem:v17+s16+$0x0], $0xffff;
	v23 =	vor.u32 v3, v25  }
0x80: {  	v8 =	vand.u32 $0x7F, v6;
	v17 =	vadd.s32 s10, v0;
	v24 =	vmov v10;
	v6 =	vld.idx.msk [tilespmem:v16+s14+$0x0], $0xffff  }
.Ltmp2:
0x81: {  	s10 =	sadd.s32 $0x2, s28;
	v13 =	vmul.f32 v21, v13;
	v10 =	vand.u32 $0x7F, v17;
	v17 =	vor.u32 v3, v8;
	v8 =	vld.idx.msk [tilespmem:v16+s16+$0x0], $0xffff;
	(pc) =	sbr.rel @p0 .LBB2_8-.Ltmp2, $4  }
0x82: {  	v19 =	vmul.f32 v19, v22;
	v21 =	vadd.s32 s10, v0;
	v16 =	vor.u32 v3, v10;
	v10 =	vld.idx.msk [tilespmem:v15+s14+$0x0], $0xffff  }
0x83: {  	v24 =	vmul.f32 v7, v24;
	v21 =	vand.u32 $0x7F, v21;
	v22 =	vmul.f32 v18, v14;
	v7 =	vld.idx.msk [tilespmem:v15+s16+$0x0], $0xffff  }
0x84: {  	s10 =	sadd.s32 $0x1, s28;
	v5 =	vadd.f32 v13, v5;
	v11 =	vadd.f32 v19, v11;
	v15 =	vor.u32 v3, v21;
	v14 =	vld.idx.msk [tilespmem:v23+s14+$0x0], $0xffff  }
0x85: {  	s28 =	sadd.s32 $0x4, s28;
	v19 =	vadd.s32 s10, v0;
	v9 =	vadd.f32 v24, v9;
	v13 =	vmovc v20;
	v12 =	vadd.f32 v22, v12;
	v18 =	vld.idx.msk [tilespmem:v23+s16+$0x0], $0xffff  }
0x86: {  	_ =	sdelay $0x3  }
0x87: {  	v19 =	vand.u32 $0x7F, v19;
	v20 =	vld.idx.msk [tilespmem:v17+s14+$0x0], $0xffff  }
0x88: {  	v52 =	vld.idx.msk [tilespmem:v17+s16+$0x0], $0xffff;
	v3 =	vor.u32 v3, v19  }
0x89: {  	v53 =	vld.idx.msk [tilespmem:v16+s14+$0x0], $0xffff  }
0x8a: {  	v54 =	vld.idx.msk [tilespmem:v16+s16+$0x0], $0xffff  }
0x8b: {  	v21 =	vld.idx.msk [tilespmem:v15+s14+$0x0], $0xffff  }
0x8c: {  	v55 =	vld.idx.msk [tilespmem:v15+s16+$0x0], $0xffff  }
0x8d: {  	v22 =	vld.idx.msk [tilespmem:v3+s14+$0x0], $0xffff  }
0x8e: {  	v3 =	vld.idx.msk [tilespmem:v3+s16+$0x0], $0xffff  }
0x8f: {  	v4 =	vmul.f32 v4, v13;
	v6 =	vmul.f32 v8, v6  }
0x90: {  	v7 =	vmul.f32 v7, v10  }
0x91: {  	v4 =	vadd.f32 v4, v5;
	v57 =	vadd.f32 v6, v11;
	v56 =	vmul.f32 v18, v14  }
0x92: {  	v7 =	vadd.f32 v7, v9;
	v59 =	vmul.f32 v52, v20;
	v60 =	vmul.f32 v54, v53  }
0x93: {  	v61 =	vmul.f32 v55, v21;
	v58 =	vadd.f32 v56, v12;
	v3 =	vmul.f32 v3, v22  }
0x94: {  	v4 =	vadd.f32 v59, v4;
	v5 =	vadd.f32 v60, v57  }
0x95: {  	v62 =	vadd.f32 v61, v7;
	v3 =	vadd.f32 v3, v58;
	_ =	sdelay $0x1  }
0x96: {  	v63 =	vadd.f32 v5, v62;
	v3 =	vadd.f32 v3, v4;
	_ =	sdelay $0x1  }
0x97: {  	v3 =	vadd.f32 v63, v3;
	_ =	sdelay $0x1  }
0x98: {  	v3 =	vsub.f32 $0.0e+00, v3;
	_ =	sdelay $0x1  }
0x99: {  	v3 =	vmul.f32 $1.442695020e+00, v3;
	_ =	sdelay $0x1  }
0x9a: {  	(erf) = vpow2.f32 v3;
	_ =	sdelay $0x8  }
0x9b: {  	v3 =	vpop (erf)  }
0x9c: {  	v3 =	vadd.f32 $1.000000000e+00, v3;
	_ =	sdelay $0x1  }
0x9d: {  	(erf) = vrcp.f32 v3;
	_ =	sdelay $0x3  }
0x9e: {  	s17 =	sadd.s32 $0x1, s17  }
0x9f: {  	p0 =	sne.s32 s17, $0x5  }
.Ltmp3:
0xa0: {  	_ = 	snop;
	(pc) =	sbr.rel @p0 .LBB2_7-.Ltmp3, $3  }
0xa1: {  	_ =	sdelay $0x1  }
0xa2: {  	v3 =	vpop (erf)  }
0xa3: {  	[tilespmem:v2+s19+$0x0 ss:$0x1] =	vst.idx.msk $0xffff, v3  }
0xa4: {  	_ =	swait.ge [sflag:s25], $0x2800  }
0xa5: {  	[sflag:s25] =	ssyncset.done $0x0  }
0xa6: {  	[sflag:s25] =	ssyncadd.s32 $0xFFFFD800  }
0xa7: {  	p0 =	seq.s32 s30, $0x1E;
	_ =	swait.ge [sflag:s25], $0x2800  }
0xa8: {  	s10 =	sadd.s32 @!p0 $0x190, s3;
	[sflag:s25] =	ssyncset.done $0x0  }
0xa9: {  	s15 =	simm.s32 @!p0 $0x50;
	s17 =	simm.s32 @!p0 $0x9F00;
	[sflag:s25] =	ssyncadd.s32 $0xFFFFD800  }
0xaa: {  	[tilespmem:s17], [sflag:$0x2] =	stream.indirect.gather @!p0 [hbm4b:s1+s15], $0x80, s10, s15, $0xb8;
	[tilespmem:$0x1B680] =	vst v63  }
0xab: {  	s28 =	sadd.s32 $0x18FA0, s0;
	s10 =	sadd.s32 @!p0 $0x2910, s3;
	s17 =	simm.s32 @!p0 $0xC700  }
0xac: {  	[tilespmem:s17], [sflag:$0x2] =	stream.indirect.gather @!p0 [hbm4b:s2+s15], $0x80, s10, s15, $0xb8;
	[tilespmem:$0x1B680] =	vst v63  }
0xad: {  	s0 =	simm.s32 $0x0;
	v2 =	vmov s28;
	s15 =	simm.s32 $0x0  }
.LBB2_11:
0xae: {  	s17 =	sshll.u32 s15, $0x4  }
0xaf: {  	v3 =	vmov s17  }
0xb0: {  	v4 =	vadd.s32 s0, v0;
	v3 =	vshll.u32 v3, $0x7  }
0xb1: {  	s10 =	simm.s32 $0x3;
	v4 =	vand.u32 $0x7F, v4;
	v3 =	vor.u32 v1, v3  }
0xb2: {  	v5 =	vadd.s32 s10, v0;
	v4 =	vor.u32 v3, v4  }
0xb3: {  	s28 =	simm.s32 $0x2;
	v5 =	vand.u32 $0x7F, v5  }
0xb4: {  	v6 =	vadd.s32 s28, v0;
	v5 =	vor.u32 v3, v5  }
0xb5: {  	s19 =	simm.s32 $0x1;
	v6 =	vand.u32 $0x7F, v6  }
0xb6: {  	v7 =	vor.u32 v3, v6;
	v6 =	vadd.s32 s19, v0  }
0xb7: {  	s28 =	simm.s32 $0x4;
	v6 =	vand.u32 $0x7F, v6;
	v13 =	vld.idx.msk [tilespmem:v4+s18+$0x0], $0xffff  }
0xb8: {  	v10 =	vadd.s32 s28, v0;
	v9 =	vor.u32 v3, v6;
	v4 =	vld.idx.msk [tilespmem:v4+s20+$0x0], $0xffff  }
0xb9: {  	v12 =	vand.u32 $0x7F, v10;
	s19 =	simm.s32 $0x7;
	v6 =	vld.idx.msk [tilespmem:v5+s18+$0x0], $0xffff  }
0xba: {  	v17 =	vor.u32 v3, v12;
	v11 =	vadd.s32 s19, v0;
	s19 =	simm.s32 $0x6;
	v8 =	vld.idx.msk [tilespmem:v5+s20+$0x0], $0xffff  }
0xbb: {  	v14 =	vadd.s32 s19, v0;
	v11 =	vand.u32 $0x7F, v11;
	v10 =	vld.idx.msk [tilespmem:v7+s18+$0x0], $0xffff  }
0xbc: {  	s28 =	simm.s32 $0x5;
	v12 =	vand.u32 $0x7F, v14;
	v16 =	vor.u32 v3, v11;
	v7 =	vld.idx.msk [tilespmem:v7+s20+$0x0], $0xffff  }
0xbd: {  	v19 =	vadd.s32 s28, v0;
	v11 =	vimm.f32 $0.0e+00;
	v15 =	vor.u32 v3, v12;
	v14 =	vld.idx.msk [tilespmem:v9+s18+$0x0], $0xffff  }
0xbe: {  	s19 =	simm.s32 $0x8;
	v12 =	vimm.f32 $0.0e+00;
	v5 =	vimm.f32 $0.0e+00;
	v18 =	vld.idx.msk [tilespmem:v9+s20+$0x0], $0xffff;
	v9 =	vimm.f32 $0.0e+00  }
.LBB2_12:
0xbf: {  	p1 =	sne.s32 s19, $0x7C;
	v25 =	vand.u32 $0x7F, v19;
	v20 =	vld.idx.msk [tilespmem:v17+s18+$0x0], $0xffff;
	v21 =	vmov v4;
	v22 =	vmov v6  }
0xc0: {  	v6 =	vadd.s32 s19, v0;
	s10 =	sadd.s32 $0x3, s19;
	v19 =	vmov v8;
	v4 =	vld.idx.msk [tilespmem:v17+s20+$0x0], $0xffff;
	v23 =	vor.u32 v3, v25  }
0xc1: {  	v8 =	vand.u32 $0x7F, v6;
	v17 =	vadd.s32 s10, v0;
	v24 =	vmov v10;
	v6 =	vld.idx.msk [tilespmem:v16+s18+$0x0], $0xffff  }
.Ltmp4:
0xc2: {  	s10 =	sadd.s32 $0x2, s19;
	v13 =	vmul.f32 v21, v13;
	v10 =	vand.u32 $0x7F, v17;
	v17 =	vor.u32 v3, v8;
	v8 =	vld.idx.msk [tilespmem:v16+s20+$0x0], $0xffff;
	(pc) =	sbr.rel @p1 .LBB2_12-.Ltmp4, $4  }
0xc3: {  	v19 =	vmul.f32 v19, v22;
	v21 =	vadd.s32 s10, v0;
	v16 =	vor.u32 v3, v10;
	v10 =	vld.idx.msk [tilespmem:v15+s18+$0x0], $0xffff  }
0xc4: {  	v24 =	vmul.f32 v7, v24;
	v21 =	vand.u32 $0x7F, v21;
	v22 =	vmul.f32 v18, v14;
	v7 =	vld.idx.msk [tilespmem:v15+s20+$0x0], $0xffff  }
0xc5: {  	s10 =	sadd.s32 $0x1, s19;
	v5 =	vadd.f32 v13, v5;
	v11 =	vadd.f32 v19, v11;
	v15 =	vor.u32 v3, v21;
	v14 =	vld.idx.msk [tilespmem:v23+s18+$0x0], $0xffff  }
0xc6: {  	s19 =	sadd.s32 $0x4, s19;
	v19 =	vadd.s32 s10, v0;
	v9 =	vadd.f32 v24, v9;
	v13 =	vmovc v20;
	v12 =	vadd.f32 v22, v12;
	v18 =	vld.idx.msk [tilespmem:v23+s20+$0x0], $0xffff  }
0xc7: {  	_ =	sdelay $0x3  }
0xc8: {  	v19 =	vand.u32 $0x7F, v19;
	v20 =	vld.idx.msk [tilespmem:v17+s18+$0x0], $0xffff  }
0xc9: {  	v52 =	vld.idx.msk [tilespmem:v17+s20+$0x0], $0xffff;
	v3 =	vor.u32 v3, v19  }
0xca: {  	v53 =	vld.idx.msk [tilespmem:v16+s18+$0x0], $0xffff  }
0xcb: {  	v54 =	vld.idx.msk [tilespmem:v16+s20+$0x0], $0xffff  }
0xcc: {  	v21 =	vld.idx.msk [tilespmem:v15+s18+$0x0], $0xffff  }
0xcd: {  	v55 =	vld.idx.msk [tilespmem:v15+s20+$0x0], $0xffff  }
0xce: {  	v22 =	vld.idx.msk [tilespmem:v3+s18+$0x0], $0xffff  }
0xcf: {  	v3 =	vld.idx.msk [tilespmem:v3+s20+$0x0], $0xffff  }
0xd0: {  	v4 =	vmul.f32 v4, v13;
	v6 =	vmul.f32 v8, v6  }
0xd1: {  	v7 =	vmul.f32 v7, v10  }
0xd2: {  	v4 =	vadd.f32 v4, v5;
	v57 =	vadd.f32 v6, v11;
	v56 =	vmul.f32 v18, v14  }
0xd3: {  	v7 =	vadd.f32 v7, v9;
	v59 =	vmul.f32 v52, v20;
	v60 =	vmul.f32 v54, v53  }
0xd4: {  	v61 =	vmul.f32 v55, v21;
	v58 =	vadd.f32 v56, v12;
	v3 =	vmul.f32 v3, v22  }
0xd5: {  	v4 =	vadd.f32 v59, v4;
	v5 =	vadd.f32 v60, v57  }
0xd6: {  	v62 =	vadd.f32 v61, v7;
	v3 =	vadd.f32 v3, v58;
	_ =	sdelay $0x1  }
0xd7: {  	v63 =	vadd.f32 v5, v62;
	v3 =	vadd.f32 v3, v4;
	_ =	sdelay $0x1  }
0xd8: {  	v3 =	vadd.f32 v63, v3;
	_ =	sdelay $0x1  }
0xd9: {  	v3 =	vsub.f32 $0.0e+00, v3;
	_ =	sdelay $0x1  }
0xda: {  	v3 =	vmul.f32 $1.442695020e+00, v3;
	_ =	sdelay $0x1  }
0xdb: {  	(erf) = vpow2.f32 v3;
	_ =	sdelay $0x8  }
0xdc: {  	v3 =	vpop (erf)  }
0xdd: {  	v3 =	vadd.f32 $1.000000000e+00, v3;
	_ =	sdelay $0x1  }
0xde: {  	(erf) = vrcp.f32 v3;
	_ =	sdelay $0x3  }
0xdf: {  	s15 =	sadd.s32 $0x1, s15  }
0xe0: {  	p1 =	sne.s32 s15, $0x5  }
.Ltmp5:
0xe1: {  	_ = 	snop;
	(pc) =	sbr.rel @p1 .LBB2_11-.Ltmp5, $3  }
0xe2: {  	_ =	sdelay $0x1  }
0xe3: {  	v3 =	vpop (erf)  }
0xe4: {  	[tilespmem:v2+s17+$0x0 ss:$0x1] =	vst.idx.msk $0xffff, v3  }
0xe5: {  	_ =	swait.ge [sflag:s26], $0x2800  }
0xe6: {  	[sflag:s26] =	ssyncset.done $0x0  }
0xe7: {  	[sflag:s26] =	ssyncadd.s32 $0xFFFFD800  }
0xe8: {  	s19 =	smul.u32 $0x140, s31;
	_ =	swait.ge [sflag:s26], $0x2800  }
0xe9: {  	s0 =	sadd.s32 @!p0 $0x1E0, s3;
	s10 =	simm.s32 @!p0 $0x50;
	[sflag:s26] =	ssyncset.done $0x0  }
0xea: {  	s15 =	simm.s32 @!p0 $0xEF00;
	s28 =	sshra.s32 s19, $0x2;
	[sflag:s26] =	ssyncadd.s32 $0xFFFFD800  }
0xeb: {  	[tilespmem:s15], [sflag:$0x3] =	stream.indirect.gather @!p0 [hbm4b:s1+s10], $0x80, s0, s10, $0xb8;
	[tilespmem:$0x1B680] =	vst v63  }
0xec: {  	s31 =	sadd.s32 $0x18F00, s28;
	s0 =	sadd.s32 @!p0 $0x2960, s3;
	s3 =	simm.s32 @!p0 $0x11700  }
0xed: {  	[tilespmem:s3], [sflag:$0x3] =	stream.indirect.gather @!p0 [hbm4b:s2+s10], $0x80, s0, s10, $0xb8;
	[tilespmem:$0x1B680] =	vst v63  }
0xee: {  	v2 =	vmov s31;
	s0 =	simm.s32 $0x0;
	s3 =	simm.s32 $0x0  }
.LBB2_15:
0xef: {  	s15 =	sshll.u32 s3, $0x4  }
0xf0: {  	v3 =	vmov s15  }
0xf1: {  	v4 =	vadd.s32 s0, v0;
	v3 =	vshll.u32 v3, $0x7  }
0xf2: {  	s10 =	simm.s32 $0x3;
	v4 =	vand.u32 $0x7F, v4;
	v3 =	vor.u32 v1, v3  }
0xf3: {  	v5 =	vadd.s32 s10, v0;
	v4 =	vor.u32 v3, v4  }
0xf4: {  	s31 =	simm.s32 $0x2;
	v5 =	vand.u32 $0x7F, v5  }
0xf5: {  	v6 =	vadd.s32 s31, v0;
	v5 =	vor.u32 v3, v5  }
0xf6: {  	s17 =	simm.s32 $0x1;
	v6 =	vand.u32 $0x7F, v6  }
0xf7: {  	v7 =	vor.u32 v3, v6;
	v6 =	vadd.s32 s17, v0  }
0xf8: {  	s19 =	simm.s32 $0x4;
	v6 =	vand.u32 $0x7F, v6;
	v13 =	vld.idx.msk [tilespmem:v4+s22+$0x0], $0xffff  }
0xf9: {  	v10 =	vadd.s32 s19, v0;
	v9 =	vor.u32 v3, v6;
	v4 =	vld.idx.msk [tilespmem:v4+s23+$0x0], $0xffff  }
0xfa: {  	v12 =	vand.u32 $0x7F, v10;
	s17 =	simm.s32 $0x7;
	v6 =	vld.idx.msk [tilespmem:v5+s22+$0x0], $0xffff  }
0xfb: {  	s28 =	simm.s32 $0x6;
	v17 =	vor.u32 v3, v12;
	v11 =	vadd.s32 s17, v0;
	v8 =	vld.idx.msk [tilespmem:v5+s23+$0x0], $0xffff  }
0xfc: {  	v14 =	vadd.s32 s28, v0;
	v11 =	vand.u32 $0x7F, v11;
	v10 =	vld.idx.msk [tilespmem:v7+s22+$0x0], $0xffff  }
0xfd: {  	s31 =	simm.s32 $0x5;
	v12 =	vand.u32 $0x7F, v14;
	v16 =	vor.u32 v3, v11;
	v7 =	vld.idx.msk [tilespmem:v7+s23+$0x0], $0xffff  }
0xfe: {  	v19 =	vadd.s32 s31, v0;
	v15 =	vor.u32 v3, v12;
	v12 =	vimm.f32 $0.0e+00;
	v14 =	vld.idx.msk [tilespmem:v9+s22+$0x0], $0xffff  }
0xff: {  	s17 =	simm.s32 $0x8;
	v11 =	vimm.f32 $0.0e+00;
	v5 =	vimm.f32 $0.0e+00;
	v18 =	vld.idx.msk [tilespmem:v9+s23+$0x0], $0xffff;
	v9 =	vimm.f32 $0.0e+00  }
.LBB2_16:
0x100: {  	p0 =	sne.s32 s17, $0x7C;
	v25 =	vand.u32 $0x7F, v19;
	v20 =	vld.idx.msk [tilespmem:v17+s22+$0x0], $0xffff;
	v21 =	vmov v4;
	v22 =	vmov v6  }
0x101: {  	v6 =	vadd.s32 s17, v0;
	s10 =	sadd.s32 $0x3, s17;
	v19 =	vmov v8;
	v4 =	vld.idx.msk [tilespmem:v17+s23+$0x0], $0xffff;
	v23 =	vor.u32 v3, v25  }
0x102: {  	v8 =	vand.u32 $0x7F, v6;
	v17 =	vadd.s32 s10, v0;
	v24 =	vmov v10;
	v6 =	vld.idx.msk [tilespmem:v16+s22+$0x0], $0xffff  }
.Ltmp6:
0x103: {  	s10 =	sadd.s32 $0x2, s17;
	v13 =	vmul.f32 v21, v13;
	v10 =	vand.u32 $0x7F, v17;
	v17 =	vor.u32 v3, v8;
	v8 =	vld.idx.msk [tilespmem:v16+s23+$0x0], $0xffff;
	(pc) =	sbr.rel @p0 .LBB2_16-.Ltmp6, $4  }
0x104: {  	v19 =	vmul.f32 v19, v22;
	v21 =	vadd.s32 s10, v0;
	v16 =	vor.u32 v3, v10;
	v10 =	vld.idx.msk [tilespmem:v15+s22+$0x0], $0xffff  }
0x105: {  	v24 =	vmul.f32 v7, v24;
	v21 =	vand.u32 $0x7F, v21;
	v22 =	vmul.f32 v18, v14;
	v7 =	vld.idx.msk [tilespmem:v15+s23+$0x0], $0xffff  }
0x106: {  	s10 =	sadd.s32 $0x1, s17;
	v5 =	vadd.f32 v13, v5;
	v11 =	vadd.f32 v19, v11;
	v15 =	vor.u32 v3, v21;
	v14 =	vld.idx.msk [tilespmem:v23+s22+$0x0], $0xffff  }
0x107: {  	s17 =	sadd.s32 $0x4, s17;
	v19 =	vadd.s32 s10, v0;
	v9 =	vadd.f32 v24, v9;
	v13 =	vmovc v20;
	v12 =	vadd.f32 v22, v12;
	v18 =	vld.idx.msk [tilespmem:v23+s23+$0x0], $0xffff  }
0x108: {  	_ =	sdelay $0x3  }
0x109: {  	v19 =	vand.u32 $0x7F, v19;
	v20 =	vld.idx.msk [tilespmem:v17+s22+$0x0], $0xffff  }
0x10a: {  	v52 =	vld.idx.msk [tilespmem:v17+s23+$0x0], $0xffff;
	v3 =	vor.u32 v3, v19  }
0x10b: {  	v53 =	vld.idx.msk [tilespmem:v16+s22+$0x0], $0xffff  }
0x10c: {  	v54 =	vld.idx.msk [tilespmem:v16+s23+$0x0], $0xffff  }
0x10d: {  	v21 =	vld.idx.msk [tilespmem:v15+s22+$0x0], $0xffff  }
0x10e: {  	v55 =	vld.idx.msk [tilespmem:v15+s23+$0x0], $0xffff  }
0x10f: {  	v22 =	vld.idx.msk [tilespmem:v3+s22+$0x0], $0xffff  }
0x110: {  	v3 =	vld.idx.msk [tilespmem:v3+s23+$0x0], $0xffff  }
0x111: {  	v4 =	vmul.f32 v4, v13;
	v6 =	vmul.f32 v8, v6  }
0x112: {  	v7 =	vmul.f32 v7, v10  }
0x113: {  	v4 =	vadd.f32 v4, v5;
	v57 =	vadd.f32 v6, v11;
	v56 =	vmul.f32 v18, v14  }
0x114: {  	v7 =	vadd.f32 v7, v9;
	v59 =	vmul.f32 v52, v20;
	v60 =	vmul.f32 v54, v53  }
0x115: {  	v61 =	vmul.f32 v55, v21;
	v58 =	vadd.f32 v56, v12;
	v3 =	vmul.f32 v3, v22  }
0x116: {  	v4 =	vadd.f32 v59, v4;
	v5 =	vadd.f32 v60, v57  }
0x117: {  	v62 =	vadd.f32 v61, v7;
	v3 =	vadd.f32 v3, v58;
	_ =	sdelay $0x1  }
0x118: {  	v63 =	vadd.f32 v5, v62;
	v3 =	vadd.f32 v3, v4;
	_ =	sdelay $0x1  }
0x119: {  	v3 =	vadd.f32 v63, v3;
	_ =	sdelay $0x1  }
0x11a: {  	v3 =	vsub.f32 $0.0e+00, v3;
	_ =	sdelay $0x1  }
0x11b: {  	v3 =	vmul.f32 $1.442695020e+00, v3;
	_ =	sdelay $0x1  }
0x11c: {  	(erf) = vpow2.f32 v3;
	_ =	sdelay $0x8  }
0x11d: {  	v3 =	vpop (erf)  }
0x11e: {  	v3 =	vadd.f32 $1.000000000e+00, v3;
	_ =	sdelay $0x1  }
0x11f: {  	(erf) = vrcp.f32 v3;
	_ =	sdelay $0x3  }
0x120: {  	s3 =	sadd.s32 $0x1, s3  }
0x121: {  	p0 =	sne.s32 s3, $0x5  }
.Ltmp7:
0x122: {  	_ = 	snop;
	(pc) =	sbr.rel @p0 .LBB2_15-.Ltmp7, $3  }
0x123: {  	_ =	sdelay $0x1  }
0x124: {  	v3 =	vpop (erf)  }
0x125: {  	[tilespmem:v2+s15+$0x0 ss:$0x1] =	vst.idx.msk $0xffff, v3  }
0x126: {  	s30 =	sadd.s32 $0x1, s30  }
0x127: {  	p0 =	sne.s32 s30, $0x1F  }
.Ltmp8:
0x128: {  	_ = 	snop;
	(pc) =	sbr.rel @p0 .LBB2_2-.Ltmp8, $1  }
0x129: {  	_ =	sdelay $0x3  }
0x12a: {  	_ =	swait.ge [sflag:s21], $0x2800  }
0x12b: {  	[sflag:s21] =	ssyncset.done $0x0  }
0x12c: {  	[sflag:s21] =	ssyncadd.s32 $0xFFFFD800  }
0x12d: {  	_ =	swait.ge [sflag:s21], $0x2800  }
0x12e: {  	[sflag:s21] =	ssyncset.done $0x0  }
0x12f: {  	s0 =	simm.s32 $0x0;
	s3 =	simm.s32 $0x0;
	[sflag:s21] =	ssyncadd.s32 $0xFFFFD800  }
.LBB2_20:
0x130: {  	s15 =	sshll.u32 s3, $0x4  }
0x131: {  	v2 =	vmov s15  }
0x132: {  	v3 =	vadd.s32 s0, v0;
	v2 =	vshll.u32 v2, $0x7  }
0x133: {  	s10 =	simm.s32 $0x3;
	v3 =	vand.u32 $0x7F, v3;
	v2 =	vor.u32 v1, v2  }
0x134: {  	v4 =	vadd.s32 s10, v0;
	v3 =	vor.u32 v2, v3  }
0x135: {  	s17 =	simm.s32 $0x2;
	v4 =	vand.u32 $0x7F, v4  }
0x136: {  	v5 =	vadd.s32 s17, v0;
	v4 =	vor.u32 v2, v4  }
0x137: {  	s19 =	simm.s32 $0x1;
	v5 =	vand.u32 $0x7F, v5  }
0x138: {  	v6 =	vor.u32 v2, v5;
	v5 =	vadd.s32 s19, v0  }
0x139: {  	s28 =	simm.s32 $0x4;
	v5 =	vand.u32 $0x7F, v5;
	v12 =	vld.idx.msk [tilespmem:v3+s12+$0x0], $0xffff  }
0x13a: {  	v9 =	vadd.s32 s28, v0;
	v8 =	vor.u32 v2, v5;
	v3 =	vld.idx.msk [tilespmem:v3+s13+$0x0], $0xffff  }
0x13b: {  	s17 =	simm.s32 $0x7;
	v11 =	vand.u32 $0x7F, v9;
	v5 =	vld.idx.msk [tilespmem:v4+s12+$0x0], $0xffff  }
0x13c: {  	s30 =	simm.s32 $0x6;
	v10 =	vadd.s32 s17, v0;
	v16 =	vor.u32 v2, v11;
	v7 =	vld.idx.msk [tilespmem:v4+s13+$0x0], $0xffff  }
0x13d: {  	v13 =	vadd.s32 s30, v0;
	v10 =	vand.u32 $0x7F, v10;
	v9 =	vld.idx.msk [tilespmem:v6+s12+$0x0], $0xffff  }
0x13e: {  	s31 =	simm.s32 $0x5;
	v11 =	vand.u32 $0x7F, v13;
	v15 =	vor.u32 v2, v10;
	v6 =	vld.idx.msk [tilespmem:v6+s13+$0x0], $0xffff  }
0x13f: {  	v18 =	vadd.s32 s31, v0;
	v10 =	vimm.f32 $0.0e+00;
	v14 =	vor.u32 v2, v11;
	v13 =	vld.idx.msk [tilespmem:v8+s12+$0x0], $0xffff  }
0x140: {  	s17 =	simm.s32 $0x8;
	v11 =	vimm.f32 $0.0e+00;
	v4 =	vimm.f32 $0.0e+00;
	v17 =	vld.idx.msk [tilespmem:v8+s13+$0x0], $0xffff;
	v8 =	vimm.f32 $0.0e+00  }
.LBB2_21:
0x141: {  	p0 =	sne.s32 s17, $0x7C;
	v24 =	vand.u32 $0x7F, v18;
	v19 =	vld.idx.msk [tilespmem:v16+s12+$0x0], $0xffff;
	v20 =	vmov v3;
	v21 =	vmov v5  }
0x142: {  	v5 =	vadd.s32 s17, v0;
	s10 =	sadd.s32 $0x3, s17;
	v18 =	vmov v7;
	v3 =	vld.idx.msk [tilespmem:v16+s13+$0x0], $0xffff;
	v22 =	vor.u32 v2, v24  }
0x143: {  	v7 =	vand.u32 $0x7F, v5;
	v16 =	vadd.s32 s10, v0;
	v23 =	vmov v9;
	v5 =	vld.idx.msk [tilespmem:v15+s12+$0x0], $0xffff  }
.Ltmp9:
0x144: {  	s10 =	sadd.s32 $0x2, s17;
	v12 =	vmul.f32 v20, v12;
	v9 =	vand.u32 $0x7F, v16;
	v16 =	vor.u32 v2, v7;
	v7 =	vld.idx.msk [tilespmem:v15+s13+$0x0], $0xffff;
	(pc) =	sbr.rel @p0 .LBB2_21-.Ltmp9, $4  }
0x145: {  	v18 =	vmul.f32 v18, v21;
	v20 =	vadd.s32 s10, v0;
	v15 =	vor.u32 v2, v9;
	v9 =	vld.idx.msk [tilespmem:v14+s12+$0x0], $0xffff  }
0x146: {  	v23 =	vmul.f32 v6, v23;
	v20 =	vand.u32 $0x7F, v20;
	v21 =	vmul.f32 v17, v13;
	v6 =	vld.idx.msk [tilespmem:v14+s13+$0x0], $0xffff  }
0x147: {  	s10 =	sadd.s32 $0x1, s17;
	v4 =	vadd.f32 v12, v4;
	v10 =	vadd.f32 v18, v10;
	v14 =	vor.u32 v2, v20;
	v13 =	vld.idx.msk [tilespmem:v22+s12+$0x0], $0xffff  }
0x148: {  	s17 =	sadd.s32 $0x4, s17;
	v18 =	vadd.s32 s10, v0;
	v8 =	vadd.f32 v23, v8;
	v12 =	vmovc v19;
	v11 =	vadd.f32 v21, v11;
	v17 =	vld.idx.msk [tilespmem:v22+s13+$0x0], $0xffff  }
0x149: {  	_ =	sdelay $0x3  }
0x14a: {  	v18 =	vand.u32 $0x7F, v18;
	v19 =	vld.idx.msk [tilespmem:v16+s12+$0x0], $0xffff  }
0x14b: {  	v53 =	vld.idx.msk [tilespmem:v16+s13+$0x0], $0xffff;
	v2 =	vor.u32 v2, v18  }
0x14c: {  	v54 =	vld.idx.msk [tilespmem:v15+s12+$0x0], $0xffff  }
0x14d: {  	v55 =	vld.idx.msk [tilespmem:v15+s13+$0x0], $0xffff  }
0x14e: {  	v20 =	vld.idx.msk [tilespmem:v14+s12+$0x0], $0xffff  }
0x14f: {  	v56 =	vld.idx.msk [tilespmem:v14+s13+$0x0], $0xffff  }
0x150: {  	v21 =	vld.idx.msk [tilespmem:v2+s12+$0x0], $0xffff  }
0x151: {  	v2 =	vld.idx.msk [tilespmem:v2+s13+$0x0], $0xffff  }
0x152: {  	v3 =	vmul.f32 v3, v12;
	v5 =	vmul.f32 v7, v5  }
0x153: {  	v6 =	vmul.f32 v6, v9  }
0x154: {  	v3 =	vadd.f32 v3, v4;
	v58 =	vadd.f32 v5, v10;
	v57 =	vmul.f32 v17, v13  }
0x155: {  	v6 =	vadd.f32 v6, v8;
	v60 =	vmul.f32 v53, v19;
	v61 =	vmul.f32 v55, v54  }
0x156: {  	v62 =	vmul.f32 v56, v20;
	v59 =	vadd.f32 v57, v11;
	v2 =	vmul.f32 v2, v21  }
0x157: {  	v3 =	vadd.f32 v60, v3;
	v4 =	vadd.f32 v61, v58  }
0x158: {  	v63 =	vadd.f32 v62, v6;
	v2 =	vadd.f32 v2, v59;
	_ =	sdelay $0x1  }
0x159: {  	v2 =	vadd.f32 v2, v3;
	v3 =	vadd.f32 v4, v63;
	_ =	sdelay $0x1  }
0x15a: {  	v2 =	vadd.f32 v3, v2;
	_ =	sdelay $0x1  }
0x15b: {  	v2 =	vsub.f32 $0.0e+00, v2;
	_ =	sdelay $0x1  }
0x15c: {  	v2 =	vmul.f32 $1.442695020e+00, v2;
	_ =	sdelay $0x1  }
0x15d: {  	(erf) = vpow2.f32 v2;
	_ =	sdelay $0x8  }
0x15e: {  	v2 =	vpop (erf)  }
0x15f: {  	v2 =	vadd.f32 $1.000000000e+00, v2;
	_ =	sdelay $0x1  }
0x160: {  	(erf) = vrcp.f32 v2;
	_ =	sdelay $0x3  }
0x161: {  	s3 =	sadd.s32 $0x1, s3  }
0x162: {  	p0 =	sne.s32 s3, $0x5  }
.Ltmp10:
0x163: {  	_ = 	snop;
	(pc) =	sbr.rel @p0 .LBB2_20-.Ltmp10, $3  }
0x164: {  	_ =	sdelay $0x1  }
0x165: {  	v2 =	vpop (erf)  }
0x166: {  	[tilespmem:s15+$0x1B5C0] =	vst v2  }
0x167: {  	s29 =	sadd.s32 $0x1, s29  }
0x168: {  	p0 =	sne.s32 s29, s8  }
.Ltmp11:
0x169: {  	s0 =	simm.s32 $0x18F00;
	(pc) =	sbr.rel @p0 .LBB2_1-.Ltmp11, $4  }
0x16a: {  	[hbm4b:s7+s4] =	stream.linear.scatter [tilespmem:s0], [sflag:$0x5], $0x2710, $0x38;
	[tilespmem:$0x1B680] =	vst v63  }
0x16b: {  	_ =	swait.ge [sflag:s9], $0x2710  }
0x16c: {  	[sflag:s9] =	ssyncset.done $0x0  }
0x16d: {  	[sflag:s9] =	ssyncadd.s32 $0xFFFFD8F0  }
0x16e: {  	_ =	sfence.sel $0x180000  }
0x16f: {  	[bflag:$0x0] =	sbarrier.arrive $0xFFFF  }
0x170: {  	_ =	strace $0x90000047  }
0x171: {  	s0 =	stileid.u32;
	[bflag:$0x2] =	sbarrier.arrive $0xFFFF  }
0x172: {  	p0 =	sne.s32 s0, $0x0;
	s0 =	rddreg [dreg:$0x4]  }
0x173: {  	s0 =	sadd.s32 @!p0 $0x100000, s0  }
0x174: {  	[sflag:s0] =	ssyncadd.tile.s32 @!p0 $0x1;
	_ =	shalt  }
.Lfunc_end2:
_tile_overlayer_lowered:
.L_overlay_start_2:
0x175: {  	(tag) =	ssettag $0x2  }
0x176: {  	s0 =	rddreg [dreg:$0x0];
	s2 =	stileid.u32  }
0x177: {  	s1 =	rddreg [dreg:$0x1];
	p0 =	sne.s32 s2, $0x0  }
0x178: {  	s3 =	rddreg [dreg:$0x2];
	[bflag:$0x3] =	sbarrier.arrive $0xFFFF;
	s2 =	simm.s32 @!p0 $0x1C05  }
0x179: {  	[timem:s3], [sflag:s2] =	dma.local @!p0 [hbm:s0], s1  }
0x17a: {  	s0 =	simm.s32 @!p0 $0x5  }
0x17b: {  	_ =	swait.ge @!p0 [sflag:s0], s1  }
0x17c: {  	s1 =	ssub.s32 @!p0 $0x0, s1;
	[sflag:s0] =	ssyncset.done @!p0 $0x0  }
0x17d: {  	[sflag:s0] =	ssyncadd.s32 @!p0 s1  }
0x17e: {  	[bflag:$0x3] =	sbarrier.arrive $0xFFFF  }
0x17f: {  	_ =	shalt  }

</sc_bundles>
